<compile_context>
chip_gen: v7x
topology: tpu7x:2x2x1
jax: 0.10.2.dev20260603
libtpu: 0.0.44.dev20260713+nightly
codegen_flags: <defaults>
</compile_context>

<pallas_src>
import functools

import jax
import jax.numpy as jnp
from jax import lax
from jax.experimental import pallas as pl
from jax.experimental.pallas import tpu as pltpu
from jax.experimental.pallas import tpu_sc as plsc

B = 1024
K = 20
NUM_ENT = 10000
NUM_REL = 16
S = 96
T = 32
D = S + T
R2 = 2 * NUM_REL
NTOK = 2 * B * K
BLK = 2560
EPB = BLK // K
NBLK = NTOK // BLK
TBW = 256

NW = 32
TPW = NTOK // NW
CH = 160
NCH = TPW // CH
NBUF = 3



@functools.cache
def _build_sc_gather():
    @functools.partial(
        pl.kernel,
        out_type=jax.ShapeDtypeStruct((NTOK, TBW), jnp.int32),
        mesh=plsc.VectorSubcoreMesh(core_axis_name="c", subcore_axis_name="s"),
        scratch_types=[
            pltpu.VMEM((TPW,), jnp.int32),
        ] + [pltpu.VMEM((CH, TBW), jnp.int32)] * NBUF
          + [pltpu.SemaphoreType.DMA] * NBUF,
    )
    def _sc_gather(table_hbm, idx_hbm, out_hbm, idx_v, *bufsem):
        bufs = bufsem[:NBUF]
        sems = bufsem[NBUF:]
        wid = lax.axis_index("s") * 2 + lax.axis_index("c")
        base = wid * TPW
        pltpu.sync_copy(idx_hbm.at[pl.ds(base, TPW)], idx_v)
        pending = [None] * NBUF

        def start(c):
            slot = c % NBUF
            pending[slot] = pltpu.async_copy(
                table_hbm.at[idx_v.at[pl.ds(c * CH, CH)]], bufs[slot],
                sems[slot])

        for c in range(NBUF - 1):
            start(c)
        for c in range(NCH):
            if c + NBUF - 1 < NCH:
                start(c + NBUF - 1)
            slot = c % NBUF
            pending[slot].wait()
            pltpu.sync_copy(bufs[slot], out_hbm.at[pl.ds(base + c * CH, CH)])

    return _sc_gather



def _transform_body(gx_ref, gy_ref, tv_ref, rel_ref, w_ref, b_ref, pm_ref,
                    rq_ref, re_ref, out_ref, pool_ref):
    gx = gx_ref[...]
    gy = gy_ref[...]
    hmask = jnp.int32(-65536)
    g0 = lax.bitcast_convert_type(gx << 16, jnp.float32)
    fr = lax.bitcast_convert_type(gx & hmask, jnp.float32)
    ph = lax.bitcast_convert_type(gy << 16, jnp.float32)
    am = lax.bitcast_convert_type(gy & hmask, jnp.float32)

    sl = lax.broadcasted_iota(jnp.int32, (4, 128), 1)
    sc = lax.broadcasted_iota(jnp.int32, (4, 128), 0)
    sel = jnp.where((sl < S) & (sl // T == sc), 1.0, 0.0)
    tval = lax.dot_general(tv_ref[...], sel, (((1,), (0,)), ((), ())),
                           preferred_element_type=jnp.float32)

    a = fr * tval + ph
    magic = jnp.float32(12582912.0)
    nf = a * jnp.float32(0.3183098861837907) + magic
    nint = lax.bitcast_convert_type(nf, jnp.int32) - jnp.int32(0x4B400000)
    ni = nint.astype(jnp.float32)
    sgn = 1.0 - 2.0 * (nint & 1).astype(jnp.float32)
    r = a - ni * jnp.float32(3.140625)
    r = r - ni * jnp.float32(0.0009676536)
    r = r - ni * jnp.float32(5.126688e-12)
    r2 = r * r
    p = r * (jnp.float32(9.999999970017e-01)
             + r2 * (jnp.float32(-1.666665997157e-01)
                     + r2 * (jnp.float32(8.333097587152e-03)
                             + r2 * (jnp.float32(-1.981248784256e-04)
                                     + r2 * jnp.float32(2.612907779947e-06)))))
    sv = (am * (p * sgn)).astype(jnp.bfloat16)
    fl = lax.broadcasted_iota(jnp.int32, (128, 128), 0)
    fo = lax.broadcasted_iota(jnp.int32, (128, 128), 1)
    fold = jnp.where((fl < S) & (fo == S + fl % T), 1.0, 0.0).astype(jnp.bfloat16)
    temb = lax.dot_general(sv, fold, (((1,), (0,)), ((), ())),
                           preferred_element_type=jnp.float32)
    xb = (g0 + temb).astype(jnp.bfloat16)

    rel = rel_ref[...]
    ri = lax.broadcasted_iota(jnp.int32, (BLK, R2), 1)
    oh = (rel == ri).astype(jnp.float32)
    acc = lax.dot_general(oh, b_ref[...], (((1,), (0,)), ((), ())),
                          preferred_element_type=jnp.float32)
    for r_ in range(R2):
        zr = lax.dot_general(xb, w_ref[r_], (((1,), (0,)), ((), ())),
                             preferred_element_type=jnp.float32)
        acc = acc + oh[:, r_:r_ + 1] * zr
    acc = jnp.maximum(acc, 0.0)

    i = pl.program_id(0)
    pool_ref[pl.ds(i * EPB, EPB), :] = lax.dot_general(
        pm_ref[...], acc, (((1,), (0,)), ((), ())),
        preferred_element_type=jnp.float32)

    @pl.when(i == NBLK - 1)
    def _():
        h = pool_ref[0:B, :]
        t = pool_ref[B:2 * B, :]
        ridx = rq_ref[...]
        i16 = lax.broadcasted_iota(jnp.int32, (B, NUM_REL), 1)
        ohq = (ridx == i16).astype(jnp.float32)
        rr = lax.dot_general(ohq, re_ref[...], (((1,), (0,)), ((), ())),
                             preferred_element_type=jnp.float32)
        diff = h + rr - t
        s = jnp.sum(diff * diff, axis=1, keepdims=True)
        out_ref[...] = -jnp.sqrt(s + 1e-12)


_transform = pl.pallas_call(
    _transform_body,
    grid=(NBLK,),
    in_specs=[
        pl.BlockSpec((BLK, 128), lambda i: (i, 0)),
        pl.BlockSpec((BLK, 128), lambda i: (i, 1)),
        pl.BlockSpec((BLK, 4), lambda i: (i, 0)),
        pl.BlockSpec((BLK, 1), lambda i: (i, 0)),
        pl.BlockSpec((R2, D, D), lambda i: (0, 0, 0)),
        pl.BlockSpec((R2, D), lambda i: (0, 0)),
        pl.BlockSpec((EPB, BLK), lambda i: (0, 0)),
        pl.BlockSpec((B, 1), lambda i: (0, 0)),
        pl.BlockSpec((NUM_REL, D), lambda i: (0, 0)),
    ],
    out_specs=pl.BlockSpec((B, 1), lambda i: (0, 0)),
    out_shape=jax.ShapeDtypeStruct((B, 1), jnp.float32),
    scratch_shapes=[pltpu.VMEM((2 * B, D), jnp.float32)],
)


def kernel(heads, rels, tails, years, months, days, neighbor_idx, neighbor_rel,
           ny, nm, nd, ent_embs, rel_embs,
           y_freq, y_phi, y_amp, m_freq, m_phi, m_amp,
           d_freq, d_phi, d_amp, W, b):
    zpad = jnp.zeros((NUM_ENT, T), jnp.float32)
    ent_g = jnp.concatenate([ent_embs, zpad], axis=1)
    fr_g = jnp.concatenate([y_freq, m_freq, d_freq, zpad], axis=1)
    ph_g = jnp.concatenate([y_phi, m_phi, d_phi, zpad], axis=1)
    am_g = jnp.concatenate([y_amp, m_amp, d_amp, zpad], axis=1)

    def pack2(lo, hi):
        lob = lax.bitcast_convert_type(lo.astype(jnp.bfloat16),
                                       jnp.uint16).astype(jnp.uint32)
        hib = lax.bitcast_convert_type(hi.astype(jnp.bfloat16),
                                       jnp.uint16).astype(jnp.uint32)
        return lax.bitcast_convert_type(lob | (hib << 16), jnp.int32)

    table = jnp.concatenate([pack2(ent_g, fr_g), pack2(ph_g, am_g)], axis=1)
    idx = neighbor_idx.reshape(NTOK).astype(jnp.int32)
    g = _build_sc_gather()(table, idx)
    tv = jnp.concatenate(
        [ny, nm, nd, jnp.zeros_like(ny)], axis=-1).reshape(NTOK, 4)
    rel = neighbor_rel.reshape(NTOK, 1).astype(jnp.int32)
    erow = lax.broadcasted_iota(jnp.int32, (EPB, BLK), 0)
    ecol = lax.broadcasted_iota(jnp.int32, (EPB, BLK), 1)
    pmat = jnp.where(ecol // K == erow, jnp.float32(1.0 / K), 0.0)
    scores = _transform(g, g, tv, rel, W.astype(jnp.bfloat16), b, pmat,
                        rels.reshape(B, 1).astype(jnp.int32), rel_embs)
    return scores.reshape(B)

# --- scband reference (transcript-rebuilt; emitter-appended) ---
"""Pipeline reference for scband-de-tgraph-24240795419241 (READ-ONLY COPY).

The authoritative reference and input builder live on the scoring server;
editing this copy changes nothing except your own understanding.
"""

import jax, jax.numpy as jnp
import numpy as np

B = 1024
K = 20
NUM_ENT = 10000
NUM_REL = 16
S = 96
T = 32
D = S + T
R2 = 2 * NUM_REL


def setup_inputs(seed: int = 0) -> dict:
    key = jax.random.key(seed)
    ks = jax.random.split(key, 24)
    heads = jax.random.randint(ks[0], (B,), 0, NUM_ENT)
    rels = jax.random.randint(ks[1], (B,), 0, NUM_REL)
    tails = jax.random.randint(ks[2], (B,), 0, NUM_ENT)
    years = jax.random.uniform(ks[3], (B,), dtype=jnp.float32)
    months = jax.random.uniform(ks[4], (B,), dtype=jnp.float32)
    days = jax.random.uniform(ks[5], (B,), dtype=jnp.float32)
    # sampled neighborhood context (stands in for dataset.train_link + get_context)
    neighbor_idx = jax.random.randint(ks[6], (2 * B, K), 0, NUM_ENT)
    neighbor_rel = jax.random.randint(ks[7], (2 * B, K), 0, R2)
    ny = jax.random.uniform(ks[8], (2 * B, K, 1), dtype=jnp.float32) * 10.0
    nm = jax.random.uniform(ks[9], (2 * B, K, 1), dtype=jnp.float32) * 12.0
    nd = jax.random.uniform(ks[10], (2 * B, K, 1), dtype=jnp.float32) * 31.0
    # learned parameters
    ent_embs = jax.random.normal(ks[11], (NUM_ENT, S), dtype=jnp.float32) * 0.05
    rel_embs = jax.random.normal(ks[12], (NUM_REL, D), dtype=jnp.float32) * 0.05
    y_freq = jax.random.normal(ks[13], (NUM_ENT, T), dtype=jnp.float32) * 0.05
    y_phi = jax.random.normal(ks[14], (NUM_ENT, T), dtype=jnp.float32) * 0.05
    y_amp = jax.random.normal(ks[15], (NUM_ENT, T), dtype=jnp.float32) * 0.05
    m_freq = jax.random.normal(ks[16], (NUM_ENT, T), dtype=jnp.float32) * 0.05
    m_phi = jax.random.normal(ks[17], (NUM_ENT, T), dtype=jnp.float32) * 0.05
    m_amp = jax.random.normal(ks[18], (NUM_ENT, T), dtype=jnp.float32) * 0.05
    d_freq = jax.random.normal(ks[19], (NUM_ENT, T), dtype=jnp.float32) * 0.05
    d_phi = jax.random.normal(ks[20], (NUM_ENT, T), dtype=jnp.float32) * 0.05
    d_amp = jax.random.normal(ks[21], (NUM_ENT, T), dtype=jnp.float32) * 0.05
    W = jax.random.normal(ks[22], (R2, D, D), dtype=jnp.float32) * (1.0 / np.sqrt(D))
    b = jnp.zeros((R2, D), dtype=jnp.float32)
    return {
        'heads': heads, 'rels': rels, 'tails': tails,
        'years': years, 'months': months, 'days': days,
        'neighbor_idx': neighbor_idx, 'neighbor_rel': neighbor_rel,
        'ny': ny, 'nm': nm, 'nd': nd,
        'ent_embs': ent_embs, 'rel_embs': rel_embs,
        'y_freq': y_freq, 'y_phi': y_phi, 'y_amp': y_amp,
        'm_freq': m_freq, 'm_phi': m_phi, 'm_amp': m_amp,
        'd_freq': d_freq, 'd_phi': d_phi, 'd_amp': d_amp,
        'W': W, 'b': b,
    }


def reference(heads, rels, tails, years, months, days,
              neighbor_idx, neighbor_rel, ny, nm, nd,
              ent_embs, rel_embs,
              y_freq, y_phi, y_amp, m_freq, m_phi, m_amp, d_freq, d_phi, d_amp,
              W, b):
    # gather neighbor entity embeddings: [2B, K, S]
    e_nb = jnp.take(ent_embs, neighbor_idx, axis=0)
    # diachronic time embedding of each neighbor: amp * sin(freq * t + phi)
    y = jnp.take(y_amp, neighbor_idx, axis=0) * jnp.sin(jnp.take(y_freq, neighbor_idx, axis=0) * ny + jnp.take(y_phi, neighbor_idx, axis=0))
    m = jnp.take(m_amp, neighbor_idx, axis=0) * jnp.sin(jnp.take(m_freq, neighbor_idx, axis=0) * nm + jnp.take(m_phi, neighbor_idx, axis=0))
    d = jnp.take(d_amp, neighbor_idx, axis=0) * jnp.sin(jnp.take(d_freq, neighbor_idx, axis=0) * nd + jnp.take(d_phi, neighbor_idx, axis=0))
    temb = y + m + d  # [2B, K, T]
    x = jnp.concatenate([e_nb, temb], axis=-1).reshape(2 * B * K, D)
    rflat = neighbor_rel.reshape(-1)
    # TransitionLayer: per relation-space linear (+ BN eval-identity) + ReLU
    z = jnp.zeros_like(x)
    for r in range(R2):
        mask = (rflat == r)[:, None].astype(x.dtype)
        z = z + mask * (x @ W[r] + b[r])
    z = jax.nn.relu(z)
    # PoolingLayer 'avg': mean over each entity's neighbor messages
    pooled = z.reshape(2 * B, K, D).mean(axis=1)
    h = pooled[:B]
    t = pooled[B:]
    rr = jnp.take(rel_embs, rels, axis=0)
    diff = h + rr - t
    scores = -jnp.sqrt(jnp.sum(diff * diff, axis=1) + 1e-12)
    return scores

if __name__ == "__main__":
    import jax
    _d = setup_inputs()
    print(jax.jit(kernel)(*tuple(_d.values())))

</pallas_src>

<mosaic_0001>
#map = affine_map<(d0, d1) -> (0, 0)>
#map1 = affine_map<(d0, d1) -> (0)>
module attributes {stable_mosaic.version = 14 : i64} {
  func.func @_sc_gather(%arg0: i32, %arg1: i32, %arg2: memref<10000x256xi32, #tpu.memory_space<hbm>>, %arg3: memref<40960xi32, #tpu.memory_space<hbm>>, %arg4: memref<40960x256xi32, #tpu.memory_space<hbm>>, %arg5: memref<1280xi32, #tpu.memory_space<vmem>>, %arg6: memref<160x256xi32, #tpu.memory_space<vmem>>, %arg7: memref<160x256xi32, #tpu.memory_space<vmem>>, %arg8: memref<160x256xi32, #tpu.memory_space<vmem>>, %arg9: memref<!tpu.dma_semaphore, #tpu.memory_space<semaphore_mem>>, %arg10: memref<!tpu.dma_semaphore, #tpu.memory_space<semaphore_mem>>, %arg11: memref<!tpu.dma_semaphore, #tpu.memory_space<semaphore_mem>>) attributes {dimension_semantics = [#tpu.dimension_semantics<core_parallel>, #tpu.dimension_semantics<subcore_parallel>], iteration_bounds = array<i64: 2, 16>, scalar_prefetch = 0 : i64, scratch_operands = 7 : i64, tpu.core_type = #tpu.core_type<sc_vector_subcore>, window_params = [{transform_indices = #map}, {transform_indices = #map1}, {transform_indices = #map}]} {
    %mul3A = arith.constant 2 : i32
    %mul3A_0 = arith.muli %arg1, %mul3A : i32
    %add3A = arith.addi %mul3A_0, %arg0 : i32
    %mul3A_1 = arith.constant 1280 : i32
    %mul3A_2 = arith.muli %add3A, %mul3A_1 : i32
    "tpu.region"() ({
      %run_scoped3A = tpu.sem_alloc : memref<!tpu.dma_semaphore, #tpu.memory_space<semaphore_mem>>
      %dma_start3A_97 = tpu.memref_slice %arg3[%mul3A_2] : memref<40960xi32, #tpu.memory_space<hbm>> -> memref<1280xi32, #tpu.memory_space<hbm>>
      %dma_start3A_98 = tpu.memref_slice %arg3[%mul3A_2] : memref<40960xi32, #tpu.memory_space<hbm>> -> memref<1280xi32, #tpu.memory_space<hbm>>
      tpu.enqueue_dma source(%dma_start3A_98 : memref<1280xi32, #tpu.memory_space<hbm>>) target(%arg5 : memref<1280xi32, #tpu.memory_space<vmem>>) target_semaphore(%run_scoped3A : memref<!tpu.dma_semaphore, #tpu.memory_space<semaphore_mem>>)
      %dma_wait3A_99 = tpu.memref_slice %arg3[%mul3A_2] : memref<40960xi32, #tpu.memory_space<hbm>> -> memref<1280xi32, #tpu.memory_space<hbm>>
      %dma_wait3A_100 = tpu.memref_slice %arg3[%mul3A_2] : memref<40960xi32, #tpu.memory_space<hbm>> -> memref<1280xi32, #tpu.memory_space<hbm>>
      tpu.wait_dma2 semaphore(%run_scoped3A : memref<!tpu.dma_semaphore, #tpu.memory_space<semaphore_mem>>) src(%dma_wait3A_100 : memref<1280xi32, #tpu.memory_space<hbm>>) dst(%arg5 : memref<1280xi32, #tpu.memory_space<vmem>>)
      tpu.yield
    }) : () -> ()
    %dma_start3A = arith.constant 0 : i32
    %dma_start3A_3 = tpu.memref_slice %arg5[%dma_start3A] : memref<1280xi32, #tpu.memory_space<vmem>> -> memref<160xi32, #tpu.memory_space<vmem>>
    %dma_start3A_4 = arith.constant 0 : i32
    %dma_start3A_5 = arith.constant 0 : i32
    %dma_start3A_6 = tpu.memref_slice %arg2[%dma_start3A_4, %dma_start3A_5] : memref<10000x256xi32, #tpu.memory_space<hbm>> -> memref<10000x256xi32, #tpu.memory_space<hbm>>
    tpu.enqueue_indirect_dma source(%dma_start3A_6 : memref<10000x256xi32, #tpu.memory_space<hbm>>) target(%arg6 : memref<160x256xi32, #tpu.memory_space<vmem>>) offsets(%dma_start3A_3 : memref<160xi32, #tpu.memory_space<vmem>>) semaphore(%arg9 : memref<!tpu.dma_semaphore, #tpu.memory_space<semaphore_mem>>)
    %dma_start3A_7 = arith.constant 160 : i32
    %dma_start3A_8 = tpu.memref_slice %arg5[%dma_start3A_7] : memref<1280xi32, #tpu.memory_space<vmem>> -> memref<160xi32, #tpu.memory_space<vmem>>
    %dma_start3A_9 = arith.constant 0 : i32
    %dma_start3A_10 = arith.constant 0 : i32
    %dma_start3A_11 = tpu.memref_slice %arg2[%dma_start3A_9, %dma_start3A_10] : memref<10000x256xi32, #tpu.memory_space<hbm>> -> memref<10000x256xi32, #tpu.memory_space<hbm>>
    tpu.enqueue_indirect_dma source(%dma_start3A_11 : memref<10000x256xi32, #tpu.memory_space<hbm>>) target(%arg7 : memref<160x256xi32, #tpu.memory_space<vmem>>) offsets(%dma_start3A_8 : memref<160xi32, #tpu.memory_space<vmem>>) semaphore(%arg10 : memref<!tpu.dma_semaphore, #tpu.memory_space<semaphore_mem>>)
    %dma_start3A_12 = arith.constant 320 : i32
    %dma_start3A_13 = tpu.memref_slice %arg5[%dma_start3A_12] : memref<1280xi32, #tpu.memory_space<vmem>> -> memref<160xi32, #tpu.memory_space<vmem>>
    %dma_start3A_14 = arith.constant 0 : i32
    %dma_start3A_15 = arith.constant 0 : i32
    %dma_start3A_16 = tpu.memref_slice %arg2[%dma_start3A_14, %dma_start3A_15] : memref<10000x256xi32, #tpu.memory_space<hbm>> -> memref<10000x256xi32, #tpu.memory_space<hbm>>
    tpu.enqueue_indirect_dma source(%dma_start3A_16 : memref<10000x256xi32, #tpu.memory_space<hbm>>) target(%arg8 : memref<160x256xi32, #tpu.memory_space<vmem>>) offsets(%dma_start3A_13 : memref<160xi32, #tpu.memory_space<vmem>>) semaphore(%arg11 : memref<!tpu.dma_semaphore, #tpu.memory_space<semaphore_mem>>)
    %dma_wait3A = arith.constant 0 : i32
    %dma_wait3A_17 = tpu.memref_slice %arg5[%dma_wait3A] : memref<1280xi32, #tpu.memory_space<vmem>> -> memref<160xi32, #tpu.memory_space<vmem>>
    %dma_wait3A_18 = arith.constant 0 : i32
    %dma_wait3A_19 = arith.constant 0 : i32
    %dma_wait3A_20 = tpu.memref_slice %arg2[%dma_wait3A_18, %dma_wait3A_19] : memref<10000x256xi32, #tpu.memory_space<hbm>> -> memref<10000x256xi32, #tpu.memory_space<hbm>>
    tpu.wait_indirect_dma semaphore(%arg9 : memref<!tpu.dma_semaphore, #tpu.memory_space<semaphore_mem>>) src(%dma_wait3A_20 : memref<10000x256xi32, #tpu.memory_space<hbm>>) dst(%arg6 : memref<160x256xi32, #tpu.memory_space<vmem>>)
    %add3A_21 = arith.constant 0 : i32
    %add3A_22 = arith.addi %mul3A_2, %add3A_21 : i32
    "tpu.region"() ({
      %run_scoped3A = tpu.sem_alloc : memref<!tpu.dma_semaphore, #tpu.memory_space<semaphore_mem>>
      %dma_start3A_97 = arith.constant 0 : i32
      %dma_start3A_98 = tpu.memref_slice %arg4[%add3A_22, %dma_start3A_97] : memref<40960x256xi32, #tpu.memory_space<hbm>> -> memref<160x256xi32, #tpu.memory_space<hbm>>
      %dma_start3A_99 = arith.constant 0 : i32
      %dma_start3A_100 = tpu.memref_slice %arg4[%add3A_22, %dma_start3A_99] : memref<40960x256xi32, #tpu.memory_space<hbm>> -> memref<160x256xi32, #tpu.memory_space<hbm>>
      tpu.enqueue_dma source(%arg6 : memref<160x256xi32, #tpu.memory_space<vmem>>) target(%dma_start3A_100 : memref<160x256xi32, #tpu.memory_space<hbm>>) target_semaphore(%run_scoped3A : memref<!tpu.dma_semaphore, #tpu.memory_space<semaphore_mem>>)
      %dma_wait3A_101 = arith.constant 0 : i32
      %dma_wait3A_102 = tpu.memref_slice %arg4[%add3A_22, %dma_wait3A_101] : memref<40960x256xi32, #tpu.memory_space<hbm>> -> memref<160x256xi32, #tpu.memory_space<hbm>>
      %dma_wait3A_103 = arith.constant 0 : i32
      %dma_wait3A_104 = tpu.memref_slice %arg4[%add3A_22, %dma_wait3A_103] : memref<40960x256xi32, #tpu.memory_space<hbm>> -> memref<160x256xi32, #tpu.memory_space<hbm>>
      tpu.wait_dma2 semaphore(%run_scoped3A : memref<!tpu.dma_semaphore, #tpu.memory_space<semaphore_mem>>) src(%arg6 : memref<160x256xi32, #tpu.memory_space<vmem>>) dst(%dma_wait3A_104 : memref<160x256xi32, #tpu.memory_space<hbm>>)
      tpu.yield
    }) : () -> ()
    %dma_start3A_23 = arith.constant 480 : i32
    %dma_start3A_24 = tpu.memref_slice %arg5[%dma_start3A_23] : memref<1280xi32, #tpu.memory_space<vmem>> -> memref<160xi32, #tpu.memory_space<vmem>>
    %dma_start3A_25 = arith.constant 0 : i32
    %dma_start3A_26 = arith.constant 0 : i32
    %dma_start3A_27 = tpu.memref_slice %arg2[%dma_start3A_25, %dma_start3A_26] : memref<10000x256xi32, #tpu.memory_space<hbm>> -> memref<10000x256xi32, #tpu.memory_space<hbm>>
    tpu.enqueue_indirect_dma source(%dma_start3A_27 : memref<10000x256xi32, #tpu.memory_space<hbm>>) target(%arg6 : memref<160x256xi32, #tpu.memory_space<vmem>>) offsets(%dma_start3A_24 : memref<160xi32, #tpu.memory_space<vmem>>) semaphore(%arg9 : memref<!tpu.dma_semaphore, #tpu.memory_space<semaphore_mem>>)
    %dma_wait3A_28 = arith.constant 160 : i32
    %dma_wait3A_29 = tpu.memref_slice %arg5[%dma_wait3A_28] : memref<1280xi32, #tpu.memory_space<vmem>> -> memref<160xi32, #tpu.memory_space<vmem>>
    %dma_wait3A_30 = arith.constant 0 : i32
    %dma_wait3A_31 = arith.constant 0 : i32
    %dma_wait3A_32 = tpu.memref_slice %arg2[%dma_wait3A_30, %dma_wait3A_31] : memref<10000x256xi32, #tpu.memory_space<hbm>> -> memref<10000x256xi32, #tpu.memory_space<hbm>>
    tpu.wait_indirect_dma semaphore(%arg10 : memref<!tpu.dma_semaphore, #tpu.memory_space<semaphore_mem>>) src(%dma_wait3A_32 : memref<10000x256xi32, #tpu.memory_space<hbm>>) dst(%arg7 : memref<160x256xi32, #tpu.memory_space<vmem>>)
    %add3A_33 = arith.constant 160 : i32
    %add3A_34 = arith.addi %mul3A_2, %add3A_33 : i32
    "tpu.region"() ({
      %run_scoped3A = tpu.sem_alloc : memref<!tpu.dma_semaphore, #tpu.memory_space<semaphore_mem>>
      %dma_start3A_97 = arith.constant 0 : i32
      %dma_start3A_98 = tpu.memref_slice %arg4[%add3A_34, %dma_start3A_97] : memref<40960x256xi32, #tpu.memory_space<hbm>> -> memref<160x256xi32, #tpu.memory_space<hbm>>
      %dma_start3A_99 = arith.constant 0 : i32
      %dma_start3A_100 = tpu.memref_slice %arg4[%add3A_34, %dma_start3A_99] : memref<40960x256xi32, #tpu.memory_space<hbm>> -> memref<160x256xi32, #tpu.memory_space<hbm>>
      tpu.enqueue_dma source(%arg7 : memref<160x256xi32, #tpu.memory_space<vmem>>) target(%dma_start3A_100 : memref<160x256xi32, #tpu.memory_space<hbm>>) target_semaphore(%run_scoped3A : memref<!tpu.dma_semaphore, #tpu.memory_space<semaphore_mem>>)
      %dma_wait3A_101 = arith.constant 0 : i32
      %dma_wait3A_102 = tpu.memref_slice %arg4[%add3A_34, %dma_wait3A_101] : memref<40960x256xi32, #tpu.memory_space<hbm>> -> memref<160x256xi32, #tpu.memory_space<hbm>>
      %dma_wait3A_103 = arith.constant 0 : i32
      %dma_wait3A_104 = tpu.memref_slice %arg4[%add3A_34, %dma_wait3A_103] : memref<40960x256xi32, #tpu.memory_space<hbm>> -> memref<160x256xi32, #tpu.memory_space<hbm>>
      tpu.wait_dma2 semaphore(%run_scoped3A : memref<!tpu.dma_semaphore, #tpu.memory_space<semaphore_mem>>) src(%arg7 : memref<160x256xi32, #tpu.memory_space<vmem>>) dst(%dma_wait3A_104 : memref<160x256xi32, #tpu.memory_space<hbm>>)
      tpu.yield
    }) : () -> ()
    %dma_start3A_35 = arith.constant 640 : i32
    %dma_start3A_36 = tpu.memref_slice %arg5[%dma_start3A_35] : memref<1280xi32, #tpu.memory_space<vmem>> -> memref<160xi32, #tpu.memory_space<vmem>>
    %dma_start3A_37 = arith.constant 0 : i32
    %dma_start3A_38 = arith.constant 0 : i32
    %dma_start3A_39 = tpu.memref_slice %arg2[%dma_start3A_37, %dma_start3A_38] : memref<10000x256xi32, #tpu.memory_space<hbm>> -> memref<10000x256xi32, #tpu.memory_space<hbm>>
    tpu.enqueue_indirect_dma source(%dma_start3A_39 : memref<10000x256xi32, #tpu.memory_space<hbm>>) target(%arg7 : memref<160x256xi32, #tpu.memory_space<vmem>>) offsets(%dma_start3A_36 : memref<160xi32, #tpu.memory_space<vmem>>) semaphore(%arg10 : memref<!tpu.dma_semaphore, #tpu.memory_space<semaphore_mem>>)
    %dma_wait3A_40 = arith.constant 320 : i32
    %dma_wait3A_41 = tpu.memref_slice %arg5[%dma_wait3A_40] : memref<1280xi32, #tpu.memory_space<vmem>> -> memref<160xi32, #tpu.memory_space<vmem>>
    %dma_wait3A_42 = arith.constant 0 : i32
    %dma_wait3A_43 = arith.constant 0 : i32
    %dma_wait3A_44 = tpu.memref_slice %arg2[%dma_wait3A_42, %dma_wait3A_43] : memref<10000x256xi32, #tpu.memory_space<hbm>> -> memref<10000x256xi32, #tpu.memory_space<hbm>>
    tpu.wait_indirect_dma semaphore(%arg11 : memref<!tpu.dma_semaphore, #tpu.memory_space<semaphore_mem>>) src(%dma_wait3A_44 : memref<10000x256xi32, #tpu.memory_space<hbm>>) dst(%arg8 : memref<160x256xi32, #tpu.memory_space<vmem>>)
    %add3A_45 = arith.constant 320 : i32
    %add3A_46 = arith.addi %mul3A_2, %add3A_45 : i32
    "tpu.region"() ({
      %run_scoped3A = tpu.sem_alloc : memref<!tpu.dma_semaphore, #tpu.memory_space<semaphore_mem>>
      %dma_start3A_97 = arith.constant 0 : i32
      %dma_start3A_98 = tpu.memref_slice %arg4[%add3A_46, %dma_start3A_97] : memref<40960x256xi32, #tpu.memory_space<hbm>> -> memref<160x256xi32, #tpu.memory_space<hbm>>
      %dma_start3A_99 = arith.constant 0 : i32
      %dma_start3A_100 = tpu.memref_slice %arg4[%add3A_46, %dma_start3A_99] : memref<40960x256xi32, #tpu.memory_space<hbm>> -> memref<160x256xi32, #tpu.memory_space<hbm>>
      tpu.enqueue_dma source(%arg8 : memref<160x256xi32, #tpu.memory_space<vmem>>) target(%dma_start3A_100 : memref<160x256xi32, #tpu.memory_space<hbm>>) target_semaphore(%run_scoped3A : memref<!tpu.dma_semaphore, #tpu.memory_space<semaphore_mem>>)
      %dma_wait3A_101 = arith.constant 0 : i32
      %dma_wait3A_102 = tpu.memref_slice %arg4[%add3A_46, %dma_wait3A_101] : memref<40960x256xi32, #tpu.memory_space<hbm>> -> memref<160x256xi32, #tpu.memory_space<hbm>>
      %dma_wait3A_103 = arith.constant 0 : i32
      %dma_wait3A_104 = tpu.memref_slice %arg4[%add3A_46, %dma_wait3A_103] : memref<40960x256xi32, #tpu.memory_space<hbm>> -> memref<160x256xi32, #tpu.memory_space<hbm>>
      tpu.wait_dma2 semaphore(%run_scoped3A : memref<!tpu.dma_semaphore, #tpu.memory_space<semaphore_mem>>) src(%arg8 : memref<160x256xi32, #tpu.memory_space<vmem>>) dst(%dma_wait3A_104 : memref<160x256xi32, #tpu.memory_space<hbm>>)
      tpu.yield
    }) : () -> ()
    %dma_start3A_47 = arith.constant 800 : i32
    %dma_start3A_48 = tpu.memref_slice %arg5[%dma_start3A_47] : memref<1280xi32, #tpu.memory_space<vmem>> -> memref<160xi32, #tpu.memory_space<vmem>>
    %dma_start3A_49 = arith.constant 0 : i32
    %dma_start3A_50 = arith.constant 0 : i32
    %dma_start3A_51 = tpu.memref_slice %arg2[%dma_start3A_49, %dma_start3A_50] : memref<10000x256xi32, #tpu.memory_space<hbm>> -> memref<10000x256xi32, #tpu.memory_space<hbm>>
    tpu.enqueue_indirect_dma source(%dma_start3A_51 : memref<10000x256xi32, #tpu.memory_space<hbm>>) target(%arg8 : memref<160x256xi32, #tpu.memory_space<vmem>>) offsets(%dma_start3A_48 : memref<160xi32, #tpu.memory_space<vmem>>) semaphore(%arg11 : memref<!tpu.dma_semaphore, #tpu.memory_space<semaphore_mem>>)
    %dma_wait3A_52 = arith.constant 480 : i32
    %dma_wait3A_53 = tpu.memref_slice %arg5[%dma_wait3A_52] : memref<1280xi32, #tpu.memory_space<vmem>> -> memref<160xi32, #tpu.memory_space<vmem>>
    %dma_wait3A_54 = arith.constant 0 : i32
    %dma_wait3A_55 = arith.constant 0 : i32
    %dma_wait3A_56 = tpu.memref_slice %arg2[%dma_wait3A_54, %dma_wait3A_55] : memref<10000x256xi32, #tpu.memory_space<hbm>> -> memref<10000x256xi32, #tpu.memory_space<hbm>>
    tpu.wait_indirect_dma semaphore(%arg9 : memref<!tpu.dma_semaphore, #tpu.memory_space<semaphore_mem>>) src(%dma_wait3A_56 : memref<10000x256xi32, #tpu.memory_space<hbm>>) dst(%arg6 : memref<160x256xi32, #tpu.memory_space<vmem>>)
    %add3A_57 = arith.constant 480 : i32
    %add3A_58 = arith.addi %mul3A_2, %add3A_57 : i32
    "tpu.region"() ({
      %run_scoped3A = tpu.sem_alloc : memref<!tpu.dma_semaphore, #tpu.memory_space<semaphore_mem>>
      %dma_start3A_97 = arith.constant 0 : i32
      %dma_start3A_98 = tpu.memref_slice %arg4[%add3A_58, %dma_start3A_97] : memref<40960x256xi32, #tpu.memory_space<hbm>> -> memref<160x256xi32, #tpu.memory_space<hbm>>
      %dma_start3A_99 = arith.constant 0 : i32
      %dma_start3A_100 = tpu.memref_slice %arg4[%add3A_58, %dma_start3A_99] : memref<40960x256xi32, #tpu.memory_space<hbm>> -> memref<160x256xi32, #tpu.memory_space<hbm>>
      tpu.enqueue_dma source(%arg6 : memref<160x256xi32, #tpu.memory_space<vmem>>) target(%dma_start3A_100 : memref<160x256xi32, #tpu.memory_space<hbm>>) target_semaphore(%run_scoped3A : memref<!tpu.dma_semaphore, #tpu.memory_space<semaphore_mem>>)
      %dma_wait3A_101 = arith.constant 0 : i32
      %dma_wait3A_102 = tpu.memref_slice %arg4[%add3A_58, %dma_wait3A_101] : memref<40960x256xi32, #tpu.memory_space<hbm>> -> memref<160x256xi32, #tpu.memory_space<hbm>>
      %dma_wait3A_103 = arith.constant 0 : i32
      %dma_wait3A_104 = tpu.memref_slice %arg4[%add3A_58, %dma_wait3A_103] : memref<40960x256xi32, #tpu.memory_space<hbm>> -> memref<160x256xi32, #tpu.memory_space<hbm>>
      tpu.wait_dma2 semaphore(%run_scoped3A : memref<!tpu.dma_semaphore, #tpu.memory_space<semaphore_mem>>) src(%arg6 : memref<160x256xi32, #tpu.memory_space<vmem>>) dst(%dma_wait3A_104 : memref<160x256xi32, #tpu.memory_space<hbm>>)
      tpu.yield
    }) : () -> ()
    %dma_start3A_59 = arith.constant 960 : i32
    %dma_start3A_60 = tpu.memref_slice %arg5[%dma_start3A_59] : memref<1280xi32, #tpu.memory_space<vmem>> -> memref<160xi32, #tpu.memory_space<vmem>>
    %dma_start3A_61 = arith.constant 0 : i32
    %dma_start3A_62 = arith.constant 0 : i32
    %dma_start3A_63 = tpu.memref_slice %arg2[%dma_start3A_61, %dma_start3A_62] : memref<10000x256xi32, #tpu.memory_space<hbm>> -> memref<10000x256xi32, #tpu.memory_space<hbm>>
    tpu.enqueue_indirect_dma source(%dma_start3A_63 : memref<10000x256xi32, #tpu.memory_space<hbm>>) target(%arg6 : memref<160x256xi32, #tpu.memory_space<vmem>>) offsets(%dma_start3A_60 : memref<160xi32, #tpu.memory_space<vmem>>) semaphore(%arg9 : memref<!tpu.dma_semaphore, #tpu.memory_space<semaphore_mem>>)
    %dma_wait3A_64 = arith.constant 640 : i32
    %dma_wait3A_65 = tpu.memref_slice %arg5[%dma_wait3A_64] : memref<1280xi32, #tpu.memory_space<vmem>> -> memref<160xi32, #tpu.memory_space<vmem>>
    %dma_wait3A_66 = arith.constant 0 : i32
    %dma_wait3A_67 = arith.constant 0 : i32
    %dma_wait3A_68 = tpu.memref_slice %arg2[%dma_wait3A_66, %dma_wait3A_67] : memref<10000x256xi32, #tpu.memory_space<hbm>> -> memref<10000x256xi32, #tpu.memory_space<hbm>>
    tpu.wait_indirect_dma semaphore(%arg10 : memref<!tpu.dma_semaphore, #tpu.memory_space<semaphore_mem>>) src(%dma_wait3A_68 : memref<10000x256xi32, #tpu.memory_space<hbm>>) dst(%arg7 : memref<160x256xi32, #tpu.memory_space<vmem>>)
    %add3A_69 = arith.constant 640 : i32
    %add3A_70 = arith.addi %mul3A_2, %add3A_69 : i32
    "tpu.region"() ({
      %run_scoped3A = tpu.sem_alloc : memref<!tpu.dma_semaphore, #tpu.memory_space<semaphore_mem>>
      %dma_start3A_97 = arith.constant 0 : i32
      %dma_start3A_98 = tpu.memref_slice %arg4[%add3A_70, %dma_start3A_97] : memref<40960x256xi32, #tpu.memory_space<hbm>> -> memref<160x256xi32, #tpu.memory_space<hbm>>
      %dma_start3A_99 = arith.constant 0 : i32
      %dma_start3A_100 = tpu.memref_slice %arg4[%add3A_70, %dma_start3A_99] : memref<40960x256xi32, #tpu.memory_space<hbm>> -> memref<160x256xi32, #tpu.memory_space<hbm>>
      tpu.enqueue_dma source(%arg7 : memref<160x256xi32, #tpu.memory_space<vmem>>) target(%dma_start3A_100 : memref<160x256xi32, #tpu.memory_space<hbm>>) target_semaphore(%run_scoped3A : memref<!tpu.dma_semaphore, #tpu.memory_space<semaphore_mem>>)
      %dma_wait3A_101 = arith.constant 0 : i32
      %dma_wait3A_102 = tpu.memref_slice %arg4[%add3A_70, %dma_wait3A_101] : memref<40960x256xi32, #tpu.memory_space<hbm>> -> memref<160x256xi32, #tpu.memory_space<hbm>>
      %dma_wait3A_103 = arith.constant 0 : i32
      %dma_wait3A_104 = tpu.memref_slice %arg4[%add3A_70, %dma_wait3A_103] : memref<40960x256xi32, #tpu.memory_space<hbm>> -> memref<160x256xi32, #tpu.memory_space<hbm>>
      tpu.wait_dma2 semaphore(%run_scoped3A : memref<!tpu.dma_semaphore, #tpu.memory_space<semaphore_mem>>) src(%arg7 : memref<160x256xi32, #tpu.memory_space<vmem>>) dst(%dma_wait3A_104 : memref<160x256xi32, #tpu.memory_space<hbm>>)
      tpu.yield
    }) : () -> ()
    %dma_start3A_71 = arith.constant 1120 : i32
    %dma_start3A_72 = tpu.memref_slice %arg5[%dma_start3A_71] : memref<1280xi32, #tpu.memory_space<vmem>> -> memref<160xi32, #tpu.memory_space<vmem>>
    %dma_start3A_73 = arith.constant 0 : i32
    %dma_start3A_74 = arith.constant 0 : i32
    %dma_start3A_75 = tpu.memref_slice %arg2[%dma_start3A_73, %dma_start3A_74] : memref<10000x256xi32, #tpu.memory_space<hbm>> -> memref<10000x256xi32, #tpu.memory_space<hbm>>
    tpu.enqueue_indirect_dma source(%dma_start3A_75 : memref<10000x256xi32, #tpu.memory_space<hbm>>) target(%arg7 : memref<160x256xi32, #tpu.memory_space<vmem>>) offsets(%dma_start3A_72 : memref<160xi32, #tpu.memory_space<vmem>>) semaphore(%arg10 : memref<!tpu.dma_semaphore, #tpu.memory_space<semaphore_mem>>)
    %dma_wait3A_76 = arith.constant 800 : i32
    %dma_wait3A_77 = tpu.memref_slice %arg5[%dma_wait3A_76] : memref<1280xi32, #tpu.memory_space<vmem>> -> memref<160xi32, #tpu.memory_space<vmem>>
    %dma_wait3A_78 = arith.constant 0 : i32
    %dma_wait3A_79 = arith.constant 0 : i32
    %dma_wait3A_80 = tpu.memref_slice %arg2[%dma_wait3A_78, %dma_wait3A_79] : memref<10000x256xi32, #tpu.memory_space<hbm>> -> memref<10000x256xi32, #tpu.memory_space<hbm>>
    tpu.wait_indirect_dma semaphore(%arg11 : memref<!tpu.dma_semaphore, #tpu.memory_space<semaphore_mem>>) src(%dma_wait3A_80 : memref<10000x256xi32, #tpu.memory_space<hbm>>) dst(%arg8 : memref<160x256xi32, #tpu.memory_space<vmem>>)
    %add3A_81 = arith.constant 800 : i32
    %add3A_82 = arith.addi %mul3A_2, %add3A_81 : i32
    "tpu.region"() ({
      %run_scoped3A = tpu.sem_alloc : memref<!tpu.dma_semaphore, #tpu.memory_space<semaphore_mem>>
      %dma_start3A_97 = arith.constant 0 : i32
      %dma_start3A_98 = tpu.memref_slice %arg4[%add3A_82, %dma_start3A_97] : memref<40960x256xi32, #tpu.memory_space<hbm>> -> memref<160x256xi32, #tpu.memory_space<hbm>>
      %dma_start3A_99 = arith.constant 0 : i32
      %dma_start3A_100 = tpu.memref_slice %arg4[%add3A_82, %dma_start3A_99] : memref<40960x256xi32, #tpu.memory_space<hbm>> -> memref<160x256xi32, #tpu.memory_space<hbm>>
      tpu.enqueue_dma source(%arg8 : memref<160x256xi32, #tpu.memory_space<vmem>>) target(%dma_start3A_100 : memref<160x256xi32, #tpu.memory_space<hbm>>) target_semaphore(%run_scoped3A : memref<!tpu.dma_semaphore, #tpu.memory_space<semaphore_mem>>)
      %dma_wait3A_101 = arith.constant 0 : i32
      %dma_wait3A_102 = tpu.memref_slice %arg4[%add3A_82, %dma_wait3A_101] : memref<40960x256xi32, #tpu.memory_space<hbm>> -> memref<160x256xi32, #tpu.memory_space<hbm>>
      %dma_wait3A_103 = arith.constant 0 : i32
      %dma_wait3A_104 = tpu.memref_slice %arg4[%add3A_82, %dma_wait3A_103] : memref<40960x256xi32, #tpu.memory_space<hbm>> -> memref<160x256xi32, #tpu.memory_space<hbm>>
      tpu.wait_dma2 semaphore(%run_scoped3A : memref<!tpu.dma_semaphore, #tpu.memory_space<semaphore_mem>>) src(%arg8 : memref<160x256xi32, #tpu.memory_space<vmem>>) dst(%dma_wait3A_104 : memref<160x256xi32, #tpu.memory_space<hbm>>)
      tpu.yield
    }) : () -> ()
    %dma_wait3A_83 = arith.constant 960 : i32
    %dma_wait3A_84 = tpu.memref_slice %arg5[%dma_wait3A_83] : memref<1280xi32, #tpu.memory_space<vmem>> -> memref<160xi32, #tpu.memory_space<vmem>>
    %dma_wait3A_85 = arith.constant 0 : i32
    %dma_wait3A_86 = arith.constant 0 : i32
    %dma_wait3A_87 = tpu.memref_slice %arg2[%dma_wait3A_85, %dma_wait3A_86] : memref<10000x256xi32, #tpu.memory_space<hbm>> -> memref<10000x256xi32, #tpu.memory_space<hbm>>
    tpu.wait_indirect_dma semaphore(%arg9 : memref<!tpu.dma_semaphore, #tpu.memory_space<semaphore_mem>>) src(%dma_wait3A_87 : memref<10000x256xi32, #tpu.memory_space<hbm>>) dst(%arg6 : memref<160x256xi32, #tpu.memory_space<vmem>>)
    %add3A_88 = arith.constant 960 : i32
    %add3A_89 = arith.addi %mul3A_2, %add3A_88 : i32
    "tpu.region"() ({
      %run_scoped3A = tpu.sem_alloc : memref<!tpu.dma_semaphore, #tpu.memory_space<semaphore_mem>>
      %dma_start3A_97 = arith.constant 0 : i32
      %dma_start3A_98 = tpu.memref_slice %arg4[%add3A_89, %dma_start3A_97] : memref<40960x256xi32, #tpu.memory_space<hbm>> -> memref<160x256xi32, #tpu.memory_space<hbm>>
      %dma_start3A_99 = arith.constant 0 : i32
      %dma_start3A_100 = tpu.memref_slice %arg4[%add3A_89, %dma_start3A_99] : memref<40960x256xi32, #tpu.memory_space<hbm>> -> memref<160x256xi32, #tpu.memory_space<hbm>>
      tpu.enqueue_dma source(%arg6 : memref<160x256xi32, #tpu.memory_space<vmem>>) target(%dma_start3A_100 : memref<160x256xi32, #tpu.memory_space<hbm>>) target_semaphore(%run_scoped3A : memref<!tpu.dma_semaphore, #tpu.memory_space<semaphore_mem>>)
      %dma_wait3A_101 = arith.constant 0 : i32
      %dma_wait3A_102 = tpu.memref_slice %arg4[%add3A_89, %dma_wait3A_101] : memref<40960x256xi32, #tpu.memory_space<hbm>> -> memref<160x256xi32, #tpu.memory_space<hbm>>
      %dma_wait3A_103 = arith.constant 0 : i32
      %dma_wait3A_104 = tpu.memref_slice %arg4[%add3A_89, %dma_wait3A_103] : memref<40960x256xi32, #tpu.memory_space<hbm>> -> memref<160x256xi32, #tpu.memory_space<hbm>>
      tpu.wait_dma2 semaphore(%run_scoped3A : memref<!tpu.dma_semaphore, #tpu.memory_space<semaphore_mem>>) src(%arg6 : memref<160x256xi32, #tpu.memory_space<vmem>>) dst(%dma_wait3A_104 : memref<160x256xi32, #tpu.memory_space<hbm>>)
      tpu.yield
    }) : () -> ()
    %dma_wait3A_90 = arith.constant 1120 : i32
    %dma_wait3A_91 = tpu.memref_slice %arg5[%dma_wait3A_90] : memref<1280xi32, #tpu.memory_space<vmem>> -> memref<160xi32, #tpu.memory_space<vmem>>
    %dma_wait3A_92 = arith.constant 0 : i32
    %dma_wait3A_93 = arith.constant 0 : i32
    %dma_wait3A_94 = tpu.memref_slice %arg2[%dma_wait3A_92, %dma_wait3A_93] : memref<10000x256xi32, #tpu.memory_space<hbm>> -> memref<10000x256xi32, #tpu.memory_space<hbm>>
    tpu.wait_indirect_dma semaphore(%arg10 : memref<!tpu.dma_semaphore, #tpu.memory_space<semaphore_mem>>) src(%dma_wait3A_94 : memref<10000x256xi32, #tpu.memory_space<hbm>>) dst(%arg7 : memref<160x256xi32, #tpu.memory_space<vmem>>)
    %add3A_95 = arith.constant 1120 : i32
    %add3A_96 = arith.addi %mul3A_2, %add3A_95 : i32
    "tpu.region"() ({
      %run_scoped3A = tpu.sem_alloc : memref<!tpu.dma_semaphore, #tpu.memory_space<semaphore_mem>>
      %dma_start3A_97 = arith.constant 0 : i32
      %dma_start3A_98 = tpu.memref_slice %arg4[%add3A_96, %dma_start3A_97] : memref<40960x256xi32, #tpu.memory_space<hbm>> -> memref<160x256xi32, #tpu.memory_space<hbm>>
      %dma_start3A_99 = arith.constant 0 : i32
      %dma_start3A_100 = tpu.memref_slice %arg4[%add3A_96, %dma_start3A_99] : memref<40960x256xi32, #tpu.memory_space<hbm>> -> memref<160x256xi32, #tpu.memory_space<hbm>>
      tpu.enqueue_dma source(%arg7 : memref<160x256xi32, #tpu.memory_space<vmem>>) target(%dma_start3A_100 : memref<160x256xi32, #tpu.memory_space<hbm>>) target_semaphore(%run_scoped3A : memref<!tpu.dma_semaphore, #tpu.memory_space<semaphore_mem>>)
      %dma_wait3A_101 = arith.constant 0 : i32
      %dma_wait3A_102 = tpu.memref_slice %arg4[%add3A_96, %dma_wait3A_101] : memref<40960x256xi32, #tpu.memory_space<hbm>> -> memref<160x256xi32, #tpu.memory_space<hbm>>
      %dma_wait3A_103 = arith.constant 0 : i32
      %dma_wait3A_104 = tpu.memref_slice %arg4[%add3A_96, %dma_wait3A_103] : memref<40960x256xi32, #tpu.memory_space<hbm>> -> memref<160x256xi32, #tpu.memory_space<hbm>>
      tpu.wait_dma2 semaphore(%run_scoped3A : memref<!tpu.dma_semaphore, #tpu.memory_space<semaphore_mem>>) src(%arg7 : memref<160x256xi32, #tpu.memory_space<vmem>>) dst(%dma_wait3A_104 : memref<160x256xi32, #tpu.memory_space<hbm>>)
      tpu.yield
    }) : () -> ()
    return
  }
}

module attributes {stable_mosaic.version = 14 : i64} {
  func.func @_transform_body(%arg0: i32, %arg1: memref<2560x128xi32, #tpu.memory_space<vmem>>, %arg2: memref<2560x128xi32, #tpu.memory_space<vmem>>, %arg3: memref<2560x4xf32, #tpu.memory_space<vmem>>, %arg4: memref<2560x1xi32, #tpu.memory_space<vmem>>, %arg5: memref<32x128x128xbf16, #tpu.memory_space<vmem>>, %arg6: memref<32x128xf32, #tpu.memory_space<vmem>>, %arg7: memref<128x2560xf32, #tpu.memory_space<vmem>>, %arg8: memref<1024x1xi32, #tpu.memory_space<vmem>>, %arg9: memref<16x128xf32, #tpu.memory_space<vmem>>, %arg10: memref<1024x1xf32, #tpu.memory_space<vmem>>, %arg11: memref<2048x128xf32, #tpu.memory_space<vmem>>) attributes {dimension_semantics = [#tpu.dimension_semantics<arbitrary>], iteration_bounds = array<i64: 16>, scalar_prefetch = 0 : i64, scratch_operands = 1 : i64, tpu.core_type = #tpu.core_type<tc>, window_params = [{transform_indices = @transform_0, window_bounds = array<i64: 2560, 128>}, {transform_indices = @transform_1, window_bounds = array<i64: 2560, 128>}, {transform_indices = @transform_2, window_bounds = array<i64: 2560, 4>}, {transform_indices = @transform_3, window_bounds = array<i64: 2560, 1>}, {pipeline_mode = #tpu.pipeline_mode<synchronous>, transform_indices = @transform_4, window_bounds = array<i64: 32, 128, 128>}, {pipeline_mode = #tpu.pipeline_mode<synchronous>, transform_indices = @transform_5, window_bounds = array<i64: 32, 128>}, {pipeline_mode = #tpu.pipeline_mode<synchronous>, transform_indices = @transform_6, window_bounds = array<i64: 128, 2560>}, {pipeline_mode = #tpu.pipeline_mode<synchronous>, transform_indices = @transform_7, window_bounds = array<i64: 1024, 1>}, {pipeline_mode = #tpu.pipeline_mode<synchronous>, transform_indices = @transform_8, window_bounds = array<i64: 16, 128>}, {pipeline_mode = #tpu.pipeline_mode<synchronous>, transform_indices = @transform_9, window_bounds = array<i64: 1024, 1>}]} {
    %get3A = arith.constant 0 : index
    %get3A_0 = arith.constant 0 : index
    %get3A_1 = vector.load %arg1[%get3A, %get3A_0] : memref<2560x128xi32, #tpu.memory_space<vmem>>, vector<2560x128xi32>
    %get3A_2 = arith.constant 0 : index
    %get3A_3 = arith.constant 0 : index
    %get3A_4 = vector.load %arg2[%get3A_2, %get3A_3] : memref<2560x128xi32, #tpu.memory_space<vmem>>, vector<2560x128xi32>
    %shift_left3A = arith.constant 16 : i32
    %shift_left3A_5 = vector.broadcast %shift_left3A : i32 to vector<2560x128xi32>
    %shift_left3A_6 = arith.shli %get3A_1, %shift_left3A_5 : vector<2560x128xi32>
    %bitcast_convert_type3A = tpu.bitcast %shift_left3A_6 : vector<2560x128xi32> -> vector<2560x128xf32>
    %and3A = arith.constant -65536 : i32
    %and3A_7 = vector.broadcast %and3A : i32 to vector<2560x128xi32>
    %and3A_8 = arith.andi %get3A_1, %and3A_7 : vector<2560x128xi32>
    %bitcast_convert_type3A_9 = tpu.bitcast %and3A_8 : vector<2560x128xi32> -> vector<2560x128xf32>
    %shift_left3A_10 = arith.constant 16 : i32
    %shift_left3A_11 = vector.broadcast %shift_left3A_10 : i32 to vector<2560x128xi32>
    %shift_left3A_12 = arith.shli %get3A_4, %shift_left3A_11 : vector<2560x128xi32>
    %bitcast_convert_type3A_13 = tpu.bitcast %shift_left3A_12 : vector<2560x128xi32> -> vector<2560x128xf32>
    %and3A_14 = arith.constant -65536 : i32
    %and3A_15 = vector.broadcast %and3A_14 : i32 to vector<2560x128xi32>
    %and3A_16 = arith.andi %get3A_4, %and3A_15 : vector<2560x128xi32>
    %bitcast_convert_type3A_17 = tpu.bitcast %and3A_16 : vector<2560x128xi32> -> vector<2560x128xf32>
    %iota3A = tpu.iota {dimensions = array<i32: 1>} : vector<4x128xi32>
    %iota3A_18 = tpu.iota {dimensions = array<i32: 0>} : vector<4x128xi32>
    %lt3A = arith.constant 96 : i32
    %lt3A_19 = vector.broadcast %lt3A : i32 to vector<4x128xi32>
    %lt3A_20 = arith.cmpi slt, %iota3A, %lt3A_19 : vector<4x128xi32>
    %jit3A = arith.constant 32 : i32
    %div3A = vector.broadcast %jit3A : i32 to vector<4x128xi32>
    %div3A_21 = arith.divsi %iota3A, %div3A : vector<4x128xi32>
    %sign3A = arith.constant 0 : i32
    %sign3A_22 = vector.broadcast %sign3A : i32 to vector<4x128xi32>
    %sign3A_23 = arith.cmpi sgt, %iota3A, %sign3A_22 : vector<4x128xi32>
    %sign3A_24 = arith.extui %sign3A_23 : vector<4x128xi1> to vector<4x128xi32>
    %sign3A_25 = arith.constant 0 : i32
    %sign3A_26 = vector.broadcast %sign3A_25 : i32 to vector<4x128xi32>
    %sign3A_27 = arith.cmpi slt, %iota3A, %sign3A_26 : vector<4x128xi32>
    %sign3A_28 = arith.extui %sign3A_27 : vector<4x128xi1> to vector<4x128xi32>
    %sign3A_29 = arith.subi %sign3A_24, %sign3A_28 : vector<4x128xi32>
    %sign3A_30 = arith.constant 0 : i32
    %sign3A_31 = arith.cmpi sgt, %jit3A, %sign3A_30 : i32
    %sign3A_32 = arith.extui %sign3A_31 : i1 to i32
    %sign3A_33 = arith.constant 0 : i32
    %sign3A_34 = arith.cmpi slt, %jit3A, %sign3A_33 : i32
    %sign3A_35 = arith.extui %sign3A_34 : i1 to i32
    %sign3A_36 = arith.subi %sign3A_32, %sign3A_35 : i32
    %ne3A = vector.broadcast %sign3A_36 : i32 to vector<4x128xi32>
    %ne3A_37 = arith.cmpi ne, %sign3A_29, %ne3A : vector<4x128xi32>
    %rem3A = vector.broadcast %jit3A : i32 to vector<4x128xi32>
    %rem3A_38 = arith.remsi %iota3A, %rem3A : vector<4x128xi32>
    %ne3A_39 = arith.constant 0 : i32
    %ne3A_40 = vector.broadcast %ne3A_39 : i32 to vector<4x128xi32>
    %ne3A_41 = arith.cmpi ne, %rem3A_38, %ne3A_40 : vector<4x128xi32>
    %and3A_42 = arith.andi %ne3A_37, %ne3A_41 : vector<4x128xi1>
    %sub3A = arith.constant 1 : i32
    %sub3A_43 = vector.broadcast %sub3A : i32 to vector<4x128xi32>
    %sub3A_44 = arith.subi %div3A_21, %sub3A_43 : vector<4x128xi32>
    %select_n3A = arith.select %and3A_42, %sub3A_44, %div3A_21 : vector<4x128xi1>, vector<4x128xi32>
    %eq3A = arith.cmpi eq, %select_n3A, %iota3A_18 : vector<4x128xi32>
    %and3A_45 = arith.andi %lt3A_20, %eq3A : vector<4x128xi1>
    %jit3A_46 = arith.constant 1.000000e+00 : f32
    %jit3A_47 = arith.constant 0.000000e+00 : f32
    %broadcast_in_dim3A = vector.broadcast %jit3A_46 : f32 to vector<4x128xf32>
    %broadcast_in_dim3A_48 = vector.broadcast %jit3A_47 : f32 to vector<4x128xf32>
    %select_n3A_49 = arith.select %and3A_45, %broadcast_in_dim3A, %broadcast_in_dim3A_48 : vector<4x128xi1>, vector<4x128xf32>
    %get3A_50 = arith.constant 0 : index
    %get3A_51 = arith.constant 0 : index
    %get3A_52 = vector.load %arg3[%get3A_50, %get3A_51] : memref<2560x4xf32, #tpu.memory_space<vmem>>, vector<2560x4xf32>
    %dot_general3A = arith.constant dense<0.000000e+00> : vector<2560x128xf32>
    %dot_general3A_53 = tpu.matmul %get3A_52, %select_n3A_49, %dot_general3A {dimension_numbers = #tpu.dot_dimension_numbers<[1], [0], [0], [1], [0, 0, 1, 1], [], []>, transpose_lhs_hint = false} : vector<2560x4xf32>, vector<4x128xf32>, vector<2560x128xf32> -> vector<2560x128xf32>
    %mul3A = arith.mulf %bitcast_convert_type3A_9, %dot_general3A_53 : vector<2560x128xf32>
    %add3A = arith.addf %mul3A, %bitcast_convert_type3A_13 : vector<2560x128xf32>
    %mul3A_54 = arith.constant 0.318309873 : f32
    %mul3A_55 = vector.broadcast %mul3A_54 : f32 to vector<2560x128xf32>
    %mul3A_56 = arith.mulf %add3A, %mul3A_55 : vector<2560x128xf32>
    %add3A_57 = arith.constant 0x4B400000 : f32
    %add3A_58 = vector.broadcast %add3A_57 : f32 to vector<2560x128xf32>
    %add3A_59 = arith.addf %mul3A_56, %add3A_58 : vector<2560x128xf32>
    %bitcast_convert_type3A_60 = tpu.bitcast %add3A_59 : vector<2560x128xf32> -> vector<2560x128xi32>
    %sub3A_61 = arith.constant 1262485504 : i32
    %sub3A_62 = vector.broadcast %sub3A_61 : i32 to vector<2560x128xi32>
    %sub3A_63 = arith.subi %bitcast_convert_type3A_60, %sub3A_62 : vector<2560x128xi32>
    %convert_element_type3A = arith.sitofp %sub3A_63 : vector<2560x128xi32> to vector<2560x128xf32>
    %and3A_64 = arith.constant 1 : i32
    %and3A_65 = vector.broadcast %and3A_64 : i32 to vector<2560x128xi32>
    %and3A_66 = arith.andi %sub3A_63, %and3A_65 : vector<2560x128xi32>
    %convert_element_type3A_67 = arith.sitofp %and3A_66 : vector<2560x128xi32> to vector<2560x128xf32>
    %mul3A_68 = arith.constant 2.000000e+00 : f32
    %mul3A_69 = vector.broadcast %mul3A_68 : f32 to vector<2560x128xf32>
    %mul3A_70 = arith.mulf %mul3A_69, %convert_element_type3A_67 : vector<2560x128xf32>
    %sub3A_71 = arith.constant 1.000000e+00 : f32
    %sub3A_72 = vector.broadcast %sub3A_71 : f32 to vector<2560x128xf32>
    %sub3A_73 = arith.subf %sub3A_72, %mul3A_70 : vector<2560x128xf32>
    %mul3A_74 = arith.constant 3.140625 : f32
    %mul3A_75 = vector.broadcast %mul3A_74 : f32 to vector<2560x128xf32>
    %mul3A_76 = arith.mulf %convert_element_type3A, %mul3A_75 : vector<2560x128xf32>
    %sub3A_77 = arith.subf %add3A, %mul3A_76 : vector<2560x128xf32>
    %mul3A_78 = arith.constant 9.67653584E-4 : f32
    %mul3A_79 = vector.broadcast %mul3A_78 : f32 to vector<2560x128xf32>
    %mul3A_80 = arith.mulf %convert_element_type3A, %mul3A_79 : vector<2560x128xf32>
    %sub3A_81 = arith.subf %sub3A_77, %mul3A_80 : vector<2560x128xf32>
    %mul3A_82 = arith.constant 5.12668814E-12 : f32
    %mul3A_83 = vector.broadcast %mul3A_82 : f32 to vector<2560x128xf32>
    %mul3A_84 = arith.mulf %convert_element_type3A, %mul3A_83 : vector<2560x128xf32>
    %sub3A_85 = arith.subf %sub3A_81, %mul3A_84 : vector<2560x128xf32>
    %mul3A_86 = arith.mulf %sub3A_85, %sub3A_85 : vector<2560x128xf32>
    %mul3A_87 = arith.constant 2.61290779E-6 : f32
    %mul3A_88 = vector.broadcast %mul3A_87 : f32 to vector<2560x128xf32>
    %mul3A_89 = arith.mulf %mul3A_86, %mul3A_88 : vector<2560x128xf32>
    %add3A_90 = arith.constant -1.98124879E-4 : f32
    %add3A_91 = vector.broadcast %add3A_90 : f32 to vector<2560x128xf32>
    %add3A_92 = arith.addf %add3A_91, %mul3A_89 : vector<2560x128xf32>
    %mul3A_93 = arith.mulf %mul3A_86, %add3A_92 : vector<2560x128xf32>
    %add3A_94 = arith.constant 0.00833309721 : f32
    %add3A_95 = vector.broadcast %add3A_94 : f32 to vector<2560x128xf32>
    %add3A_96 = arith.addf %add3A_95, %mul3A_93 : vector<2560x128xf32>
    %mul3A_97 = arith.mulf %mul3A_86, %add3A_96 : vector<2560x128xf32>
    %add3A_98 = arith.constant -0.166666597 : f32
    %add3A_99 = vector.broadcast %add3A_98 : f32 to vector<2560x128xf32>
    %add3A_100 = arith.addf %add3A_99, %mul3A_97 : vector<2560x128xf32>
    %mul3A_101 = arith.mulf %mul3A_86, %add3A_100 : vector<2560x128xf32>
    %add3A_102 = arith.constant 1.000000e+00 : f32
    %add3A_103 = vector.broadcast %add3A_102 : f32 to vector<2560x128xf32>
    %add3A_104 = arith.addf %add3A_103, %mul3A_101 : vector<2560x128xf32>
    %mul3A_105 = arith.mulf %sub3A_85, %add3A_104 : vector<2560x128xf32>
    %mul3A_106 = arith.mulf %mul3A_105, %sub3A_73 : vector<2560x128xf32>
    %mul3A_107 = arith.mulf %bitcast_convert_type3A_17, %mul3A_106 : vector<2560x128xf32>
    %convert_element_type3A_108 = arith.truncf %mul3A_107 : vector<2560x128xf32> to vector<2560x128xbf16>
    %iota3A_109 = tpu.iota {dimensions = array<i32: 0>} : vector<128x128xi32>
    %iota3A_110 = tpu.iota {dimensions = array<i32: 1>} : vector<128x128xi32>
    %lt3A_111 = arith.constant 96 : i32
    %lt3A_112 = vector.broadcast %lt3A_111 : i32 to vector<128x128xi32>
    %lt3A_113 = arith.cmpi slt, %iota3A_109, %lt3A_112 : vector<128x128xi32>
    %jit3A_114 = arith.constant 32 : i32
    %eq3A_115 = arith.constant 0 : i32
    %eq3A_116 = arith.cmpi eq, %jit3A_114, %eq3A_115 : i32
    %jit3A_117 = arith.constant 1 : i32
    %select_n3A_118 = arith.select %eq3A_116, %jit3A_117, %jit3A_114 : i32
    %rem3A_119 = vector.broadcast %select_n3A_118 : i32 to vector<128x128xi32>
    %rem3A_120 = arith.remsi %iota3A_109, %rem3A_119 : vector<128x128xi32>
    %ne3A_121 = arith.constant 0 : i32
    %ne3A_122 = vector.broadcast %ne3A_121 : i32 to vector<128x128xi32>
    %ne3A_123 = arith.cmpi ne, %rem3A_120, %ne3A_122 : vector<128x128xi32>
    %lt3A_124 = arith.constant 0 : i32
    %lt3A_125 = vector.broadcast %lt3A_124 : i32 to vector<128x128xi32>
    %lt3A_126 = arith.cmpi slt, %rem3A_120, %lt3A_125 : vector<128x128xi32>
    %lt3A_127 = arith.constant 0 : i32
    %lt3A_128 = arith.cmpi slt, %select_n3A_118, %lt3A_127 : i32
    %ne3A_129 = vector.broadcast %lt3A_128 : i1 to vector<128x128xi1>
    %ne3A_130 = vector.broadcast %ne3A_129 : vector<128x128xi1> to vector<128x128xi1>
    %ne3A_131 = arith.xori %lt3A_126, %ne3A_130 : vector<128x128xi1>
    %and3A_132 = arith.andi %ne3A_131, %ne3A_123 : vector<128x128xi1>
    %add3A_133 = vector.broadcast %select_n3A_118 : i32 to vector<128x128xi32>
    %add3A_134 = arith.addi %rem3A_120, %add3A_133 : vector<128x128xi32>
    %select_n3A_135 = arith.select %and3A_132, %add3A_134, %rem3A_120 : vector<128x128xi1>, vector<128x128xi32>
    %add3A_136 = arith.constant 96 : i32
    %add3A_137 = vector.broadcast %add3A_136 : i32 to vector<128x128xi32>
    %add3A_138 = arith.addi %add3A_137, %select_n3A_135 : vector<128x128xi32>
    %eq3A_139 = arith.cmpi eq, %iota3A_110, %add3A_138 : vector<128x128xi32>
    %and3A_140 = arith.andi %lt3A_113, %eq3A_139 : vector<128x128xi1>
    %jit3A_141 = arith.constant 1.000000e+00 : f32
    %jit3A_142 = arith.constant 0.000000e+00 : f32
    %broadcast_in_dim3A_143 = vector.broadcast %jit3A_141 : f32 to vector<128x128xf32>
    %broadcast_in_dim3A_144 = vector.broadcast %jit3A_142 : f32 to vector<128x128xf32>
    %select_n3A_145 = arith.select %and3A_140, %broadcast_in_dim3A_143, %broadcast_in_dim3A_144 : vector<128x128xi1>, vector<128x128xf32>
    %convert_element_type3A_146 = arith.truncf %select_n3A_145 : vector<128x128xf32> to vector<128x128xbf16>
    %dot_general3A_147 = arith.constant dense<0.000000e+00> : vector<2560x128xf32>
    %dot_general3A_148 = tpu.matmul %convert_element_type3A_108, %convert_element_type3A_146, %dot_general3A_147 {dimension_numbers = #tpu.dot_dimension_numbers<[1], [0], [0], [1], [0, 0, 1, 1], [], []>, transpose_lhs_hint = false} : vector<2560x128xbf16>, vector<128x128xbf16>, vector<2560x128xf32> -> vector<2560x128xf32>
    %add3A_149 = arith.addf %bitcast_convert_type3A, %dot_general3A_148 : vector<2560x128xf32>
    %convert_element_type3A_150 = arith.truncf %add3A_149 : vector<2560x128xf32> to vector<2560x128xbf16>
    %get3A_151 = arith.constant 0 : index
    %get3A_152 = arith.constant 0 : index
    %get3A_153 = vector.load %arg4[%get3A_151, %get3A_152] : memref<2560x1xi32, #tpu.memory_space<vmem>>, vector<2560x1xi32>
    %iota3A_154 = tpu.iota {dimensions = array<i32: 1>} : vector<2560x32xi32>
    %eq3A_155 = vector.broadcast %get3A_153 : vector<2560x1xi32> to vector<2560x32xi32>
    %eq3A_156 = arith.cmpi eq, %eq3A_155, %iota3A_154 : vector<2560x32xi32>
    %convert_element_type3A_157 = arith.extui %eq3A_156 : vector<2560x32xi1> to vector<2560x32xi32>
    %convert_element_type3A_158 = arith.sitofp %convert_element_type3A_157 : vector<2560x32xi32> to vector<2560x32xf32>
    %get3A_159 = arith.constant 0 : index
    %get3A_160 = arith.constant 0 : index
    %get3A_161 = vector.load %arg6[%get3A_159, %get3A_160] : memref<32x128xf32, #tpu.memory_space<vmem>>, vector<32x128xf32>
    %dot_general3A_162 = arith.constant dense<0.000000e+00> : vector<2560x128xf32>
    %dot_general3A_163 = tpu.matmul %convert_element_type3A_158, %get3A_161, %dot_general3A_162 {dimension_numbers = #tpu.dot_dimension_numbers<[1], [0], [0], [1], [0, 0, 1, 1], [], []>, transpose_lhs_hint = false} : vector<2560x32xf32>, vector<32x128xf32>, vector<2560x128xf32> -> vector<2560x128xf32>
    %get3A_164 = arith.constant 0 : index
    %get3A_165 = arith.constant 0 : index
    %get3A_166 = arith.constant 0 : index
    %get3A_167 = vector.load %arg5[%get3A_164, %get3A_165, %get3A_166] : memref<32x128x128xbf16, #tpu.memory_space<vmem>>, vector<1x128x128xbf16>
    %get3A_168 = vector.shape_cast %get3A_167 : vector<1x128x128xbf16> to vector<128x128xbf16>
    %dot_general3A_169 = arith.constant dense<0.000000e+00> : vector<2560x128xf32>
    %dot_general3A_170 = tpu.matmul %convert_element_type3A_150, %get3A_168, %dot_general3A_169 {dimension_numbers = #tpu.dot_dimension_numbers<[1], [0], [0], [1], [0, 0, 1, 1], [], []>, transpose_lhs_hint = false} : vector<2560x128xbf16>, vector<128x128xbf16>, vector<2560x128xf32> -> vector<2560x128xf32>
    %slice3A = vector.extract_strided_slice %convert_element_type3A_158 {offsets = [0, 0], sizes = [2560, 1], strides = [1, 1]} : vector<2560x32xf32> to vector<2560x1xf32>
    %mul3A_171 = vector.broadcast %slice3A : vector<2560x1xf32> to vector<2560x128xf32>
    %mul3A_172 = arith.mulf %mul3A_171, %dot_general3A_170 : vector<2560x128xf32>
    %add3A_173 = arith.addf %dot_general3A_163, %mul3A_172 : vector<2560x128xf32>
    %get3A_174 = arith.constant 1 : index
    %get3A_175 = arith.constant 0 : index
    %get3A_176 = arith.constant 0 : index
    %get3A_177 = vector.load %arg5[%get3A_174, %get3A_175, %get3A_176] : memref<32x128x128xbf16, #tpu.memory_space<vmem>>, vector<1x128x128xbf16>
    %get3A_178 = vector.shape_cast %get3A_177 : vector<1x128x128xbf16> to vector<128x128xbf16>
    %dot_general3A_179 = arith.constant dense<0.000000e+00> : vector<2560x128xf32>
    %dot_general3A_180 = tpu.matmul %convert_element_type3A_150, %get3A_178, %dot_general3A_179 {dimension_numbers = #tpu.dot_dimension_numbers<[1], [0], [0], [1], [0, 0, 1, 1], [], []>, transpose_lhs_hint = false} : vector<2560x128xbf16>, vector<128x128xbf16>, vector<2560x128xf32> -> vector<2560x128xf32>
    %slice3A_181 = vector.extract_strided_slice %convert_element_type3A_158 {offsets = [0, 1], sizes = [2560, 1], strides = [1, 1]} : vector<2560x32xf32> to vector<2560x1xf32>
    %mul3A_182 = vector.broadcast %slice3A_181 : vector<2560x1xf32> to vector<2560x128xf32>
    %mul3A_183 = arith.mulf %mul3A_182, %dot_general3A_180 : vector<2560x128xf32>
    %add3A_184 = arith.addf %add3A_173, %mul3A_183 : vector<2560x128xf32>
    %get3A_185 = arith.constant 2 : index
    %get3A_186 = arith.constant 0 : index
    %get3A_187 = arith.constant 0 : index
    %get3A_188 = vector.load %arg5[%get3A_185, %get3A_186, %get3A_187] : memref<32x128x128xbf16, #tpu.memory_space<vmem>>, vector<1x128x128xbf16>
    %get3A_189 = vector.shape_cast %get3A_188 : vector<1x128x128xbf16> to vector<128x128xbf16>
    %dot_general3A_190 = arith.constant dense<0.000000e+00> : vector<2560x128xf32>
    %dot_general3A_191 = tpu.matmul %convert_element_type3A_150, %get3A_189, %dot_general3A_190 {dimension_numbers = #tpu.dot_dimension_numbers<[1], [0], [0], [1], [0, 0, 1, 1], [], []>, transpose_lhs_hint = false} : vector<2560x128xbf16>, vector<128x128xbf16>, vector<2560x128xf32> -> vector<2560x128xf32>
    %slice3A_192 = vector.extract_strided_slice %convert_element_type3A_158 {offsets = [0, 2], sizes = [2560, 1], strides = [1, 1]} : vector<2560x32xf32> to vector<2560x1xf32>
    %mul3A_193 = vector.broadcast %slice3A_192 : vector<2560x1xf32> to vector<2560x128xf32>
    %mul3A_194 = arith.mulf %mul3A_193, %dot_general3A_191 : vector<2560x128xf32>
    %add3A_195 = arith.addf %add3A_184, %mul3A_194 : vector<2560x128xf32>
    %get3A_196 = arith.constant 3 : index
    %get3A_197 = arith.constant 0 : index
    %get3A_198 = arith.constant 0 : index
    %get3A_199 = vector.load %arg5[%get3A_196, %get3A_197, %get3A_198] : memref<32x128x128xbf16, #tpu.memory_space<vmem>>, vector<1x128x128xbf16>
    %get3A_200 = vector.shape_cast %get3A_199 : vector<1x128x128xbf16> to vector<128x128xbf16>
    %dot_general3A_201 = arith.constant dense<0.000000e+00> : vector<2560x128xf32>
    %dot_general3A_202 = tpu.matmul %convert_element_type3A_150, %get3A_200, %dot_general3A_201 {dimension_numbers = #tpu.dot_dimension_numbers<[1], [0], [0], [1], [0, 0, 1, 1], [], []>, transpose_lhs_hint = false} : vector<2560x128xbf16>, vector<128x128xbf16>, vector<2560x128xf32> -> vector<2560x128xf32>
    %slice3A_203 = vector.extract_strided_slice %convert_element_type3A_158 {offsets = [0, 3], sizes = [2560, 1], strides = [1, 1]} : vector<2560x32xf32> to vector<2560x1xf32>
    %mul3A_204 = vector.broadcast %slice3A_203 : vector<2560x1xf32> to vector<2560x128xf32>
    %mul3A_205 = arith.mulf %mul3A_204, %dot_general3A_202 : vector<2560x128xf32>
    %add3A_206 = arith.addf %add3A_195, %mul3A_205 : vector<2560x128xf32>
    %get3A_207 = arith.constant 4 : index
    %get3A_208 = arith.constant 0 : index
    %get3A_209 = arith.constant 0 : index
    %get3A_210 = vector.load %arg5[%get3A_207, %get3A_208, %get3A_209] : memref<32x128x128xbf16, #tpu.memory_space<vmem>>, vector<1x128x128xbf16>
    %get3A_211 = vector.shape_cast %get3A_210 : vector<1x128x128xbf16> to vector<128x128xbf16>
    %dot_general3A_212 = arith.constant dense<0.000000e+00> : vector<2560x128xf32>
    %dot_general3A_213 = tpu.matmul %convert_element_type3A_150, %get3A_211, %dot_general3A_212 {dimension_numbers = #tpu.dot_dimension_numbers<[1], [0], [0], [1], [0, 0, 1, 1], [], []>, transpose_lhs_hint = false} : vector<2560x128xbf16>, vector<128x128xbf16>, vector<2560x128xf32> -> vector<2560x128xf32>
    %slice3A_214 = vector.extract_strided_slice %convert_element_type3A_158 {offsets = [0, 4], sizes = [2560, 1], strides = [1, 1]} : vector<2560x32xf32> to vector<2560x1xf32>
    %mul3A_215 = vector.broadcast %slice3A_214 : vector<2560x1xf32> to vector<2560x128xf32>
    %mul3A_216 = arith.mulf %mul3A_215, %dot_general3A_213 : vector<2560x128xf32>
    %add3A_217 = arith.addf %add3A_206, %mul3A_216 : vector<2560x128xf32>
    %get3A_218 = arith.constant 5 : index
    %get3A_219 = arith.constant 0 : index
    %get3A_220 = arith.constant 0 : index
    %get3A_221 = vector.load %arg5[%get3A_218, %get3A_219, %get3A_220] : memref<32x128x128xbf16, #tpu.memory_space<vmem>>, vector<1x128x128xbf16>
    %get3A_222 = vector.shape_cast %get3A_221 : vector<1x128x128xbf16> to vector<128x128xbf16>
    %dot_general3A_223 = arith.constant dense<0.000000e+00> : vector<2560x128xf32>
    %dot_general3A_224 = tpu.matmul %convert_element_type3A_150, %get3A_222, %dot_general3A_223 {dimension_numbers = #tpu.dot_dimension_numbers<[1], [0], [0], [1], [0, 0, 1, 1], [], []>, transpose_lhs_hint = false} : vector<2560x128xbf16>, vector<128x128xbf16>, vector<2560x128xf32> -> vector<2560x128xf32>
    %slice3A_225 = vector.extract_strided_slice %convert_element_type3A_158 {offsets = [0, 5], sizes = [2560, 1], strides = [1, 1]} : vector<2560x32xf32> to vector<2560x1xf32>
    %mul3A_226 = vector.broadcast %slice3A_225 : vector<2560x1xf32> to vector<2560x128xf32>
    %mul3A_227 = arith.mulf %mul3A_226, %dot_general3A_224 : vector<2560x128xf32>
    %add3A_228 = arith.addf %add3A_217, %mul3A_227 : vector<2560x128xf32>
    %get3A_229 = arith.constant 6 : index
    %get3A_230 = arith.constant 0 : index
    %get3A_231 = arith.constant 0 : index
    %get3A_232 = vector.load %arg5[%get3A_229, %get3A_230, %get3A_231] : memref<32x128x128xbf16, #tpu.memory_space<vmem>>, vector<1x128x128xbf16>
    %get3A_233 = vector.shape_cast %get3A_232 : vector<1x128x128xbf16> to vector<128x128xbf16>
    %dot_general3A_234 = arith.constant dense<0.000000e+00> : vector<2560x128xf32>
    %dot_general3A_235 = tpu.matmul %convert_element_type3A_150, %get3A_233, %dot_general3A_234 {dimension_numbers = #tpu.dot_dimension_numbers<[1], [0], [0], [1], [0, 0, 1, 1], [], []>, transpose_lhs_hint = false} : vector<2560x128xbf16>, vector<128x128xbf16>, vector<2560x128xf32> -> vector<2560x128xf32>
    %slice3A_236 = vector.extract_strided_slice %convert_element_type3A_158 {offsets = [0, 6], sizes = [2560, 1], strides = [1, 1]} : vector<2560x32xf32> to vector<2560x1xf32>
    %mul3A_237 = vector.broadcast %slice3A_236 : vector<2560x1xf32> to vector<2560x128xf32>
    %mul3A_238 = arith.mulf %mul3A_237, %dot_general3A_235 : vector<2560x128xf32>
    %add3A_239 = arith.addf %add3A_228, %mul3A_238 : vector<2560x128xf32>
    %get3A_240 = arith.constant 7 : index
    %get3A_241 = arith.constant 0 : index
    %get3A_242 = arith.constant 0 : index
    %get3A_243 = vector.load %arg5[%get3A_240, %get3A_241, %get3A_242] : memref<32x128x128xbf16, #tpu.memory_space<vmem>>, vector<1x128x128xbf16>
    %get3A_244 = vector.shape_cast %get3A_243 : vector<1x128x128xbf16> to vector<128x128xbf16>
    %dot_general3A_245 = arith.constant dense<0.000000e+00> : vector<2560x128xf32>
    %dot_general3A_246 = tpu.matmul %convert_element_type3A_150, %get3A_244, %dot_general3A_245 {dimension_numbers = #tpu.dot_dimension_numbers<[1], [0], [0], [1], [0, 0, 1, 1], [], []>, transpose_lhs_hint = false} : vector<2560x128xbf16>, vector<128x128xbf16>, vector<2560x128xf32> -> vector<2560x128xf32>
    %slice3A_247 = vector.extract_strided_slice %convert_element_type3A_158 {offsets = [0, 7], sizes = [2560, 1], strides = [1, 1]} : vector<2560x32xf32> to vector<2560x1xf32>
    %mul3A_248 = vector.broadcast %slice3A_247 : vector<2560x1xf32> to vector<2560x128xf32>
    %mul3A_249 = arith.mulf %mul3A_248, %dot_general3A_246 : vector<2560x128xf32>
    %add3A_250 = arith.addf %add3A_239, %mul3A_249 : vector<2560x128xf32>
    %get3A_251 = arith.constant 8 : index
    %get3A_252 = arith.constant 0 : index
    %get3A_253 = arith.constant 0 : index
    %get3A_254 = vector.load %arg5[%get3A_251, %get3A_252, %get3A_253] : memref<32x128x128xbf16, #tpu.memory_space<vmem>>, vector<1x128x128xbf16>
    %get3A_255 = vector.shape_cast %get3A_254 : vector<1x128x128xbf16> to vector<128x128xbf16>
    %dot_general3A_256 = arith.constant dense<0.000000e+00> : vector<2560x128xf32>
    %dot_general3A_257 = tpu.matmul %convert_element_type3A_150, %get3A_255, %dot_general3A_256 {dimension_numbers = #tpu.dot_dimension_numbers<[1], [0], [0], [1], [0, 0, 1, 1], [], []>, transpose_lhs_hint = false} : vector<2560x128xbf16>, vector<128x128xbf16>, vector<2560x128xf32> -> vector<2560x128xf32>
    %slice3A_258 = vector.extract_strided_slice %convert_element_type3A_158 {offsets = [0, 8], sizes = [2560, 1], strides = [1, 1]} : vector<2560x32xf32> to vector<2560x1xf32>
    %mul3A_259 = vector.broadcast %slice3A_258 : vector<2560x1xf32> to vector<2560x128xf32>
    %mul3A_260 = arith.mulf %mul3A_259, %dot_general3A_257 : vector<2560x128xf32>
    %add3A_261 = arith.addf %add3A_250, %mul3A_260 : vector<2560x128xf32>
    %get3A_262 = arith.constant 9 : index
    %get3A_263 = arith.constant 0 : index
    %get3A_264 = arith.constant 0 : index
    %get3A_265 = vector.load %arg5[%get3A_262, %get3A_263, %get3A_264] : memref<32x128x128xbf16, #tpu.memory_space<vmem>>, vector<1x128x128xbf16>
    %get3A_266 = vector.shape_cast %get3A_265 : vector<1x128x128xbf16> to vector<128x128xbf16>
    %dot_general3A_267 = arith.constant dense<0.000000e+00> : vector<2560x128xf32>
    %dot_general3A_268 = tpu.matmul %convert_element_type3A_150, %get3A_266, %dot_general3A_267 {dimension_numbers = #tpu.dot_dimension_numbers<[1], [0], [0], [1], [0, 0, 1, 1], [], []>, transpose_lhs_hint = false} : vector<2560x128xbf16>, vector<128x128xbf16>, vector<2560x128xf32> -> vector<2560x128xf32>
    %slice3A_269 = vector.extract_strided_slice %convert_element_type3A_158 {offsets = [0, 9], sizes = [2560, 1], strides = [1, 1]} : vector<2560x32xf32> to vector<2560x1xf32>
    %mul3A_270 = vector.broadcast %slice3A_269 : vector<2560x1xf32> to vector<2560x128xf32>
    %mul3A_271 = arith.mulf %mul3A_270, %dot_general3A_268 : vector<2560x128xf32>
    %add3A_272 = arith.addf %add3A_261, %mul3A_271 : vector<2560x128xf32>
    %get3A_273 = arith.constant 10 : index
    %get3A_274 = arith.constant 0 : index
    %get3A_275 = arith.constant 0 : index
    %get3A_276 = vector.load %arg5[%get3A_273, %get3A_274, %get3A_275] : memref<32x128x128xbf16, #tpu.memory_space<vmem>>, vector<1x128x128xbf16>
    %get3A_277 = vector.shape_cast %get3A_276 : vector<1x128x128xbf16> to vector<128x128xbf16>
    %dot_general3A_278 = arith.constant dense<0.000000e+00> : vector<2560x128xf32>
    %dot_general3A_279 = tpu.matmul %convert_element_type3A_150, %get3A_277, %dot_general3A_278 {dimension_numbers = #tpu.dot_dimension_numbers<[1], [0], [0], [1], [0, 0, 1, 1], [], []>, transpose_lhs_hint = false} : vector<2560x128xbf16>, vector<128x128xbf16>, vector<2560x128xf32> -> vector<2560x128xf32>
    %slice3A_280 = vector.extract_strided_slice %convert_element_type3A_158 {offsets = [0, 10], sizes = [2560, 1], strides = [1, 1]} : vector<2560x32xf32> to vector<2560x1xf32>
    %mul3A_281 = vector.broadcast %slice3A_280 : vector<2560x1xf32> to vector<2560x128xf32>
    %mul3A_282 = arith.mulf %mul3A_281, %dot_general3A_279 : vector<2560x128xf32>
    %add3A_283 = arith.addf %add3A_272, %mul3A_282 : vector<2560x128xf32>
    %get3A_284 = arith.constant 11 : index
    %get3A_285 = arith.constant 0 : index
    %get3A_286 = arith.constant 0 : index
    %get3A_287 = vector.load %arg5[%get3A_284, %get3A_285, %get3A_286] : memref<32x128x128xbf16, #tpu.memory_space<vmem>>, vector<1x128x128xbf16>
    %get3A_288 = vector.shape_cast %get3A_287 : vector<1x128x128xbf16> to vector<128x128xbf16>
    %dot_general3A_289 = arith.constant dense<0.000000e+00> : vector<2560x128xf32>
    %dot_general3A_290 = tpu.matmul %convert_element_type3A_150, %get3A_288, %dot_general3A_289 {dimension_numbers = #tpu.dot_dimension_numbers<[1], [0], [0], [1], [0, 0, 1, 1], [], []>, transpose_lhs_hint = false} : vector<2560x128xbf16>, vector<128x128xbf16>, vector<2560x128xf32> -> vector<2560x128xf32>
    %slice3A_291 = vector.extract_strided_slice %convert_element_type3A_158 {offsets = [0, 11], sizes = [2560, 1], strides = [1, 1]} : vector<2560x32xf32> to vector<2560x1xf32>
    %mul3A_292 = vector.broadcast %slice3A_291 : vector<2560x1xf32> to vector<2560x128xf32>
    %mul3A_293 = arith.mulf %mul3A_292, %dot_general3A_290 : vector<2560x128xf32>
    %add3A_294 = arith.addf %add3A_283, %mul3A_293 : vector<2560x128xf32>
    %get3A_295 = arith.constant 12 : index
    %get3A_296 = arith.constant 0 : index
    %get3A_297 = arith.constant 0 : index
    %get3A_298 = vector.load %arg5[%get3A_295, %get3A_296, %get3A_297] : memref<32x128x128xbf16, #tpu.memory_space<vmem>>, vector<1x128x128xbf16>
    %get3A_299 = vector.shape_cast %get3A_298 : vector<1x128x128xbf16> to vector<128x128xbf16>
    %dot_general3A_300 = arith.constant dense<0.000000e+00> : vector<2560x128xf32>
    %dot_general3A_301 = tpu.matmul %convert_element_type3A_150, %get3A_299, %dot_general3A_300 {dimension_numbers = #tpu.dot_dimension_numbers<[1], [0], [0], [1], [0, 0, 1, 1], [], []>, transpose_lhs_hint = false} : vector<2560x128xbf16>, vector<128x128xbf16>, vector<2560x128xf32> -> vector<2560x128xf32>
    %slice3A_302 = vector.extract_strided_slice %convert_element_type3A_158 {offsets = [0, 12], sizes = [2560, 1], strides = [1, 1]} : vector<2560x32xf32> to vector<2560x1xf32>
    %mul3A_303 = vector.broadcast %slice3A_302 : vector<2560x1xf32> to vector<2560x128xf32>
    %mul3A_304 = arith.mulf %mul3A_303, %dot_general3A_301 : vector<2560x128xf32>
    %add3A_305 = arith.addf %add3A_294, %mul3A_304 : vector<2560x128xf32>
    %get3A_306 = arith.constant 13 : index
    %get3A_307 = arith.constant 0 : index
    %get3A_308 = arith.constant 0 : index
    %get3A_309 = vector.load %arg5[%get3A_306, %get3A_307, %get3A_308] : memref<32x128x128xbf16, #tpu.memory_space<vmem>>, vector<1x128x128xbf16>
    %get3A_310 = vector.shape_cast %get3A_309 : vector<1x128x128xbf16> to vector<128x128xbf16>
    %dot_general3A_311 = arith.constant dense<0.000000e+00> : vector<2560x128xf32>
    %dot_general3A_312 = tpu.matmul %convert_element_type3A_150, %get3A_310, %dot_general3A_311 {dimension_numbers = #tpu.dot_dimension_numbers<[1], [0], [0], [1], [0, 0, 1, 1], [], []>, transpose_lhs_hint = false} : vector<2560x128xbf16>, vector<128x128xbf16>, vector<2560x128xf32> -> vector<2560x128xf32>
    %slice3A_313 = vector.extract_strided_slice %convert_element_type3A_158 {offsets = [0, 13], sizes = [2560, 1], strides = [1, 1]} : vector<2560x32xf32> to vector<2560x1xf32>
    %mul3A_314 = vector.broadcast %slice3A_313 : vector<2560x1xf32> to vector<2560x128xf32>
    %mul3A_315 = arith.mulf %mul3A_314, %dot_general3A_312 : vector<2560x128xf32>
    %add3A_316 = arith.addf %add3A_305, %mul3A_315 : vector<2560x128xf32>
    %get3A_317 = arith.constant 14 : index
    %get3A_318 = arith.constant 0 : index
    %get3A_319 = arith.constant 0 : index
    %get3A_320 = vector.load %arg5[%get3A_317, %get3A_318, %get3A_319] : memref<32x128x128xbf16, #tpu.memory_space<vmem>>, vector<1x128x128xbf16>
    %get3A_321 = vector.shape_cast %get3A_320 : vector<1x128x128xbf16> to vector<128x128xbf16>
    %dot_general3A_322 = arith.constant dense<0.000000e+00> : vector<2560x128xf32>
    %dot_general3A_323 = tpu.matmul %convert_element_type3A_150, %get3A_321, %dot_general3A_322 {dimension_numbers = #tpu.dot_dimension_numbers<[1], [0], [0], [1], [0, 0, 1, 1], [], []>, transpose_lhs_hint = false} : vector<2560x128xbf16>, vector<128x128xbf16>, vector<2560x128xf32> -> vector<2560x128xf32>
    %slice3A_324 = vector.extract_strided_slice %convert_element_type3A_158 {offsets = [0, 14], sizes = [2560, 1], strides = [1, 1]} : vector<2560x32xf32> to vector<2560x1xf32>
    %mul3A_325 = vector.broadcast %slice3A_324 : vector<2560x1xf32> to vector<2560x128xf32>
    %mul3A_326 = arith.mulf %mul3A_325, %dot_general3A_323 : vector<2560x128xf32>
    %add3A_327 = arith.addf %add3A_316, %mul3A_326 : vector<2560x128xf32>
    %get3A_328 = arith.constant 15 : index
    %get3A_329 = arith.constant 0 : index
    %get3A_330 = arith.constant 0 : index
    %get3A_331 = vector.load %arg5[%get3A_328, %get3A_329, %get3A_330] : memref<32x128x128xbf16, #tpu.memory_space<vmem>>, vector<1x128x128xbf16>
    %get3A_332 = vector.shape_cast %get3A_331 : vector<1x128x128xbf16> to vector<128x128xbf16>
    %dot_general3A_333 = arith.constant dense<0.000000e+00> : vector<2560x128xf32>
    %dot_general3A_334 = tpu.matmul %convert_element_type3A_150, %get3A_332, %dot_general3A_333 {dimension_numbers = #tpu.dot_dimension_numbers<[1], [0], [0], [1], [0, 0, 1, 1], [], []>, transpose_lhs_hint = false} : vector<2560x128xbf16>, vector<128x128xbf16>, vector<2560x128xf32> -> vector<2560x128xf32>
    %slice3A_335 = vector.extract_strided_slice %convert_element_type3A_158 {offsets = [0, 15], sizes = [2560, 1], strides = [1, 1]} : vector<2560x32xf32> to vector<2560x1xf32>
    %mul3A_336 = vector.broadcast %slice3A_335 : vector<2560x1xf32> to vector<2560x128xf32>
    %mul3A_337 = arith.mulf %mul3A_336, %dot_general3A_334 : vector<2560x128xf32>
    %add3A_338 = arith.addf %add3A_327, %mul3A_337 : vector<2560x128xf32>
    %get3A_339 = arith.constant 16 : index
    %get3A_340 = arith.constant 0 : index
    %get3A_341 = arith.constant 0 : index
    %get3A_342 = vector.load %arg5[%get3A_339, %get3A_340, %get3A_341] : memref<32x128x128xbf16, #tpu.memory_space<vmem>>, vector<1x128x128xbf16>
    %get3A_343 = vector.shape_cast %get3A_342 : vector<1x128x128xbf16> to vector<128x128xbf16>
    %dot_general3A_344 = arith.constant dense<0.000000e+00> : vector<2560x128xf32>
    %dot_general3A_345 = tpu.matmul %convert_element_type3A_150, %get3A_343, %dot_general3A_344 {dimension_numbers = #tpu.dot_dimension_numbers<[1], [0], [0], [1], [0, 0, 1, 1], [], []>, transpose_lhs_hint = false} : vector<2560x128xbf16>, vector<128x128xbf16>, vector<2560x128xf32> -> vector<2560x128xf32>
    %slice3A_346 = vector.extract_strided_slice %convert_element_type3A_158 {offsets = [0, 16], sizes = [2560, 1], strides = [1, 1]} : vector<2560x32xf32> to vector<2560x1xf32>
    %mul3A_347 = vector.broadcast %slice3A_346 : vector<2560x1xf32> to vector<2560x128xf32>
    %mul3A_348 = arith.mulf %mul3A_347, %dot_general3A_345 : vector<2560x128xf32>
    %add3A_349 = arith.addf %add3A_338, %mul3A_348 : vector<2560x128xf32>
    %get3A_350 = arith.constant 17 : index
    %get3A_351 = arith.constant 0 : index
    %get3A_352 = arith.constant 0 : index
    %get3A_353 = vector.load %arg5[%get3A_350, %get3A_351, %get3A_352] : memref<32x128x128xbf16, #tpu.memory_space<vmem>>, vector<1x128x128xbf16>
    %get3A_354 = vector.shape_cast %get3A_353 : vector<1x128x128xbf16> to vector<128x128xbf16>
    %dot_general3A_355 = arith.constant dense<0.000000e+00> : vector<2560x128xf32>
    %dot_general3A_356 = tpu.matmul %convert_element_type3A_150, %get3A_354, %dot_general3A_355 {dimension_numbers = #tpu.dot_dimension_numbers<[1], [0], [0], [1], [0, 0, 1, 1], [], []>, transpose_lhs_hint = false} : vector<2560x128xbf16>, vector<128x128xbf16>, vector<2560x128xf32> -> vector<2560x128xf32>
    %slice3A_357 = vector.extract_strided_slice %convert_element_type3A_158 {offsets = [0, 17], sizes = [2560, 1], strides = [1, 1]} : vector<2560x32xf32> to vector<2560x1xf32>
    %mul3A_358 = vector.broadcast %slice3A_357 : vector<2560x1xf32> to vector<2560x128xf32>
    %mul3A_359 = arith.mulf %mul3A_358, %dot_general3A_356 : vector<2560x128xf32>
    %add3A_360 = arith.addf %add3A_349, %mul3A_359 : vector<2560x128xf32>
    %get3A_361 = arith.constant 18 : index
    %get3A_362 = arith.constant 0 : index
    %get3A_363 = arith.constant 0 : index
    %get3A_364 = vector.load %arg5[%get3A_361, %get3A_362, %get3A_363] : memref<32x128x128xbf16, #tpu.memory_space<vmem>>, vector<1x128x128xbf16>
    %get3A_365 = vector.shape_cast %get3A_364 : vector<1x128x128xbf16> to vector<128x128xbf16>
    %dot_general3A_366 = arith.constant dense<0.000000e+00> : vector<2560x128xf32>
    %dot_general3A_367 = tpu.matmul %convert_element_type3A_150, %get3A_365, %dot_general3A_366 {dimension_numbers = #tpu.dot_dimension_numbers<[1], [0], [0], [1], [0, 0, 1, 1], [], []>, transpose_lhs_hint = false} : vector<2560x128xbf16>, vector<128x128xbf16>, vector<2560x128xf32> -> vector<2560x128xf32>
    %slice3A_368 = vector.extract_strided_slice %convert_element_type3A_158 {offsets = [0, 18], sizes = [2560, 1], strides = [1, 1]} : vector<2560x32xf32> to vector<2560x1xf32>
    %mul3A_369 = vector.broadcast %slice3A_368 : vector<2560x1xf32> to vector<2560x128xf32>
    %mul3A_370 = arith.mulf %mul3A_369, %dot_general3A_367 : vector<2560x128xf32>
    %add3A_371 = arith.addf %add3A_360, %mul3A_370 : vector<2560x128xf32>
    %get3A_372 = arith.constant 19 : index
    %get3A_373 = arith.constant 0 : index
    %get3A_374 = arith.constant 0 : index
    %get3A_375 = vector.load %arg5[%get3A_372, %get3A_373, %get3A_374] : memref<32x128x128xbf16, #tpu.memory_space<vmem>>, vector<1x128x128xbf16>
    %get3A_376 = vector.shape_cast %get3A_375 : vector<1x128x128xbf16> to vector<128x128xbf16>
    %dot_general3A_377 = arith.constant dense<0.000000e+00> : vector<2560x128xf32>
    %dot_general3A_378 = tpu.matmul %convert_element_type3A_150, %get3A_376, %dot_general3A_377 {dimension_numbers = #tpu.dot_dimension_numbers<[1], [0], [0], [1], [0, 0, 1, 1], [], []>, transpose_lhs_hint = false} : vector<2560x128xbf16>, vector<128x128xbf16>, vector<2560x128xf32> -> vector<2560x128xf32>
    %slice3A_379 = vector.extract_strided_slice %convert_element_type3A_158 {offsets = [0, 19], sizes = [2560, 1], strides = [1, 1]} : vector<2560x32xf32> to vector<2560x1xf32>
    %mul3A_380 = vector.broadcast %slice3A_379 : vector<2560x1xf32> to vector<2560x128xf32>
    %mul3A_381 = arith.mulf %mul3A_380, %dot_general3A_378 : vector<2560x128xf32>
    %add3A_382 = arith.addf %add3A_371, %mul3A_381 : vector<2560x128xf32>
    %get3A_383 = arith.constant 20 : index
    %get3A_384 = arith.constant 0 : index
    %get3A_385 = arith.constant 0 : index
    %get3A_386 = vector.load %arg5[%get3A_383, %get3A_384, %get3A_385] : memref<32x128x128xbf16, #tpu.memory_space<vmem>>, vector<1x128x128xbf16>
    %get3A_387 = vector.shape_cast %get3A_386 : vector<1x128x128xbf16> to vector<128x128xbf16>
    %dot_general3A_388 = arith.constant dense<0.000000e+00> : vector<2560x128xf32>
    %dot_general3A_389 = tpu.matmul %convert_element_type3A_150, %get3A_387, %dot_general3A_388 {dimension_numbers = #tpu.dot_dimension_numbers<[1], [0], [0], [1], [0, 0, 1, 1], [], []>, transpose_lhs_hint = false} : vector<2560x128xbf16>, vector<128x128xbf16>, vector<2560x128xf32> -> vector<2560x128xf32>
    %slice3A_390 = vector.extract_strided_slice %convert_element_type3A_158 {offsets = [0, 20], sizes = [2560, 1], strides = [1, 1]} : vector<2560x32xf32> to vector<2560x1xf32>
    %mul3A_391 = vector.broadcast %slice3A_390 : vector<2560x1xf32> to vector<2560x128xf32>
    %mul3A_392 = arith.mulf %mul3A_391, %dot_general3A_389 : vector<2560x128xf32>
    %add3A_393 = arith.addf %add3A_382, %mul3A_392 : vector<2560x128xf32>
    %get3A_394 = arith.constant 21 : index
    %get3A_395 = arith.constant 0 : index
    %get3A_396 = arith.constant 0 : index
    %get3A_397 = vector.load %arg5[%get3A_394, %get3A_395, %get3A_396] : memref<32x128x128xbf16, #tpu.memory_space<vmem>>, vector<1x128x128xbf16>
    %get3A_398 = vector.shape_cast %get3A_397 : vector<1x128x128xbf16> to vector<128x128xbf16>
    %dot_general3A_399 = arith.constant dense<0.000000e+00> : vector<2560x128xf32>
    %dot_general3A_400 = tpu.matmul %convert_element_type3A_150, %get3A_398, %dot_general3A_399 {dimension_numbers = #tpu.dot_dimension_numbers<[1], [0], [0], [1], [0, 0, 1, 1], [], []>, transpose_lhs_hint = false} : vector<2560x128xbf16>, vector<128x128xbf16>, vector<2560x128xf32> -> vector<2560x128xf32>
    %slice3A_401 = vector.extract_strided_slice %convert_element_type3A_158 {offsets = [0, 21], sizes = [2560, 1], strides = [1, 1]} : vector<2560x32xf32> to vector<2560x1xf32>
    %mul3A_402 = vector.broadcast %slice3A_401 : vector<2560x1xf32> to vector<2560x128xf32>
    %mul3A_403 = arith.mulf %mul3A_402, %dot_general3A_400 : vector<2560x128xf32>
    %add3A_404 = arith.addf %add3A_393, %mul3A_403 : vector<2560x128xf32>
    %get3A_405 = arith.constant 22 : index
    %get3A_406 = arith.constant 0 : index
    %get3A_407 = arith.constant 0 : index
    %get3A_408 = vector.load %arg5[%get3A_405, %get3A_406, %get3A_407] : memref<32x128x128xbf16, #tpu.memory_space<vmem>>, vector<1x128x128xbf16>
    %get3A_409 = vector.shape_cast %get3A_408 : vector<1x128x128xbf16> to vector<128x128xbf16>
    %dot_general3A_410 = arith.constant dense<0.000000e+00> : vector<2560x128xf32>
    %dot_general3A_411 = tpu.matmul %convert_element_type3A_150, %get3A_409, %dot_general3A_410 {dimension_numbers = #tpu.dot_dimension_numbers<[1], [0], [0], [1], [0, 0, 1, 1], [], []>, transpose_lhs_hint = false} : vector<2560x128xbf16>, vector<128x128xbf16>, vector<2560x128xf32> -> vector<2560x128xf32>
    %slice3A_412 = vector.extract_strided_slice %convert_element_type3A_158 {offsets = [0, 22], sizes = [2560, 1], strides = [1, 1]} : vector<2560x32xf32> to vector<2560x1xf32>
    %mul3A_413 = vector.broadcast %slice3A_412 : vector<2560x1xf32> to vector<2560x128xf32>
    %mul3A_414 = arith.mulf %mul3A_413, %dot_general3A_411 : vector<2560x128xf32>
    %add3A_415 = arith.addf %add3A_404, %mul3A_414 : vector<2560x128xf32>
    %get3A_416 = arith.constant 23 : index
    %get3A_417 = arith.constant 0 : index
    %get3A_418 = arith.constant 0 : index
    %get3A_419 = vector.load %arg5[%get3A_416, %get3A_417, %get3A_418] : memref<32x128x128xbf16, #tpu.memory_space<vmem>>, vector<1x128x128xbf16>
    %get3A_420 = vector.shape_cast %get3A_419 : vector<1x128x128xbf16> to vector<128x128xbf16>
    %dot_general3A_421 = arith.constant dense<0.000000e+00> : vector<2560x128xf32>
    %dot_general3A_422 = tpu.matmul %convert_element_type3A_150, %get3A_420, %dot_general3A_421 {dimension_numbers = #tpu.dot_dimension_numbers<[1], [0], [0], [1], [0, 0, 1, 1], [], []>, transpose_lhs_hint = false} : vector<2560x128xbf16>, vector<128x128xbf16>, vector<2560x128xf32> -> vector<2560x128xf32>
    %slice3A_423 = vector.extract_strided_slice %convert_element_type3A_158 {offsets = [0, 23], sizes = [2560, 1], strides = [1, 1]} : vector<2560x32xf32> to vector<2560x1xf32>
    %mul3A_424 = vector.broadcast %slice3A_423 : vector<2560x1xf32> to vector<2560x128xf32>
    %mul3A_425 = arith.mulf %mul3A_424, %dot_general3A_422 : vector<2560x128xf32>
    %add3A_426 = arith.addf %add3A_415, %mul3A_425 : vector<2560x128xf32>
    %get3A_427 = arith.constant 24 : index
    %get3A_428 = arith.constant 0 : index
    %get3A_429 = arith.constant 0 : index
    %get3A_430 = vector.load %arg5[%get3A_427, %get3A_428, %get3A_429] : memref<32x128x128xbf16, #tpu.memory_space<vmem>>, vector<1x128x128xbf16>
    %get3A_431 = vector.shape_cast %get3A_430 : vector<1x128x128xbf16> to vector<128x128xbf16>
    %dot_general3A_432 = arith.constant dense<0.000000e+00> : vector<2560x128xf32>
    %dot_general3A_433 = tpu.matmul %convert_element_type3A_150, %get3A_431, %dot_general3A_432 {dimension_numbers = #tpu.dot_dimension_numbers<[1], [0], [0], [1], [0, 0, 1, 1], [], []>, transpose_lhs_hint = false} : vector<2560x128xbf16>, vector<128x128xbf16>, vector<2560x128xf32> -> vector<2560x128xf32>
    %slice3A_434 = vector.extract_strided_slice %convert_element_type3A_158 {offsets = [0, 24], sizes = [2560, 1], strides = [1, 1]} : vector<2560x32xf32> to vector<2560x1xf32>
    %mul3A_435 = vector.broadcast %slice3A_434 : vector<2560x1xf32> to vector<2560x128xf32>
    %mul3A_436 = arith.mulf %mul3A_435, %dot_general3A_433 : vector<2560x128xf32>
    %add3A_437 = arith.addf %add3A_426, %mul3A_436 : vector<2560x128xf32>
    %get3A_438 = arith.constant 25 : index
    %get3A_439 = arith.constant 0 : index
    %get3A_440 = arith.constant 0 : index
    %get3A_441 = vector.load %arg5[%get3A_438, %get3A_439, %get3A_440] : memref<32x128x128xbf16, #tpu.memory_space<vmem>>, vector<1x128x128xbf16>
    %get3A_442 = vector.shape_cast %get3A_441 : vector<1x128x128xbf16> to vector<128x128xbf16>
    %dot_general3A_443 = arith.constant dense<0.000000e+00> : vector<2560x128xf32>
    %dot_general3A_444 = tpu.matmul %convert_element_type3A_150, %get3A_442, %dot_general3A_443 {dimension_numbers = #tpu.dot_dimension_numbers<[1], [0], [0], [1], [0, 0, 1, 1], [], []>, transpose_lhs_hint = false} : vector<2560x128xbf16>, vector<128x128xbf16>, vector<2560x128xf32> -> vector<2560x128xf32>
    %slice3A_445 = vector.extract_strided_slice %convert_element_type3A_158 {offsets = [0, 25], sizes = [2560, 1], strides = [1, 1]} : vector<2560x32xf32> to vector<2560x1xf32>
    %mul3A_446 = vector.broadcast %slice3A_445 : vector<2560x1xf32> to vector<2560x128xf32>
    %mul3A_447 = arith.mulf %mul3A_446, %dot_general3A_444 : vector<2560x128xf32>
    %add3A_448 = arith.addf %add3A_437, %mul3A_447 : vector<2560x128xf32>
    %get3A_449 = arith.constant 26 : index
    %get3A_450 = arith.constant 0 : index
    %get3A_451 = arith.constant 0 : index
    %get3A_452 = vector.load %arg5[%get3A_449, %get3A_450, %get3A_451] : memref<32x128x128xbf16, #tpu.memory_space<vmem>>, vector<1x128x128xbf16>
    %get3A_453 = vector.shape_cast %get3A_452 : vector<1x128x128xbf16> to vector<128x128xbf16>
    %dot_general3A_454 = arith.constant dense<0.000000e+00> : vector<2560x128xf32>
    %dot_general3A_455 = tpu.matmul %convert_element_type3A_150, %get3A_453, %dot_general3A_454 {dimension_numbers = #tpu.dot_dimension_numbers<[1], [0], [0], [1], [0, 0, 1, 1], [], []>, transpose_lhs_hint = false} : vector<2560x128xbf16>, vector<128x128xbf16>, vector<2560x128xf32> -> vector<2560x128xf32>
    %slice3A_456 = vector.extract_strided_slice %convert_element_type3A_158 {offsets = [0, 26], sizes = [2560, 1], strides = [1, 1]} : vector<2560x32xf32> to vector<2560x1xf32>
    %mul3A_457 = vector.broadcast %slice3A_456 : vector<2560x1xf32> to vector<2560x128xf32>
    %mul3A_458 = arith.mulf %mul3A_457, %dot_general3A_455 : vector<2560x128xf32>
    %add3A_459 = arith.addf %add3A_448, %mul3A_458 : vector<2560x128xf32>
    %get3A_460 = arith.constant 27 : index
    %get3A_461 = arith.constant 0 : index
    %get3A_462 = arith.constant 0 : index
    %get3A_463 = vector.load %arg5[%get3A_460, %get3A_461, %get3A_462] : memref<32x128x128xbf16, #tpu.memory_space<vmem>>, vector<1x128x128xbf16>
    %get3A_464 = vector.shape_cast %get3A_463 : vector<1x128x128xbf16> to vector<128x128xbf16>
    %dot_general3A_465 = arith.constant dense<0.000000e+00> : vector<2560x128xf32>
    %dot_general3A_466 = tpu.matmul %convert_element_type3A_150, %get3A_464, %dot_general3A_465 {dimension_numbers = #tpu.dot_dimension_numbers<[1], [0], [0], [1], [0, 0, 1, 1], [], []>, transpose_lhs_hint = false} : vector<2560x128xbf16>, vector<128x128xbf16>, vector<2560x128xf32> -> vector<2560x128xf32>
    %slice3A_467 = vector.extract_strided_slice %convert_element_type3A_158 {offsets = [0, 27], sizes = [2560, 1], strides = [1, 1]} : vector<2560x32xf32> to vector<2560x1xf32>
    %mul3A_468 = vector.broadcast %slice3A_467 : vector<2560x1xf32> to vector<2560x128xf32>
    %mul3A_469 = arith.mulf %mul3A_468, %dot_general3A_466 : vector<2560x128xf32>
    %add3A_470 = arith.addf %add3A_459, %mul3A_469 : vector<2560x128xf32>
    %get3A_471 = arith.constant 28 : index
    %get3A_472 = arith.constant 0 : index
    %get3A_473 = arith.constant 0 : index
    %get3A_474 = vector.load %arg5[%get3A_471, %get3A_472, %get3A_473] : memref<32x128x128xbf16, #tpu.memory_space<vmem>>, vector<1x128x128xbf16>
    %get3A_475 = vector.shape_cast %get3A_474 : vector<1x128x128xbf16> to vector<128x128xbf16>
    %dot_general3A_476 = arith.constant dense<0.000000e+00> : vector<2560x128xf32>
    %dot_general3A_477 = tpu.matmul %convert_element_type3A_150, %get3A_475, %dot_general3A_476 {dimension_numbers = #tpu.dot_dimension_numbers<[1], [0], [0], [1], [0, 0, 1, 1], [], []>, transpose_lhs_hint = false} : vector<2560x128xbf16>, vector<128x128xbf16>, vector<2560x128xf32> -> vector<2560x128xf32>
    %slice3A_478 = vector.extract_strided_slice %convert_element_type3A_158 {offsets = [0, 28], sizes = [2560, 1], strides = [1, 1]} : vector<2560x32xf32> to vector<2560x1xf32>
    %mul3A_479 = vector.broadcast %slice3A_478 : vector<2560x1xf32> to vector<2560x128xf32>
    %mul3A_480 = arith.mulf %mul3A_479, %dot_general3A_477 : vector<2560x128xf32>
    %add3A_481 = arith.addf %add3A_470, %mul3A_480 : vector<2560x128xf32>
    %get3A_482 = arith.constant 29 : index
    %get3A_483 = arith.constant 0 : index
    %get3A_484 = arith.constant 0 : index
    %get3A_485 = vector.load %arg5[%get3A_482, %get3A_483, %get3A_484] : memref<32x128x128xbf16, #tpu.memory_space<vmem>>, vector<1x128x128xbf16>
    %get3A_486 = vector.shape_cast %get3A_485 : vector<1x128x128xbf16> to vector<128x128xbf16>
    %dot_general3A_487 = arith.constant dense<0.000000e+00> : vector<2560x128xf32>
    %dot_general3A_488 = tpu.matmul %convert_element_type3A_150, %get3A_486, %dot_general3A_487 {dimension_numbers = #tpu.dot_dimension_numbers<[1], [0], [0], [1], [0, 0, 1, 1], [], []>, transpose_lhs_hint = false} : vector<2560x128xbf16>, vector<128x128xbf16>, vector<2560x128xf32> -> vector<2560x128xf32>
    %slice3A_489 = vector.extract_strided_slice %convert_element_type3A_158 {offsets = [0, 29], sizes = [2560, 1], strides = [1, 1]} : vector<2560x32xf32> to vector<2560x1xf32>
    %mul3A_490 = vector.broadcast %slice3A_489 : vector<2560x1xf32> to vector<2560x128xf32>
    %mul3A_491 = arith.mulf %mul3A_490, %dot_general3A_488 : vector<2560x128xf32>
    %add3A_492 = arith.addf %add3A_481, %mul3A_491 : vector<2560x128xf32>
    %get3A_493 = arith.constant 30 : index
    %get3A_494 = arith.constant 0 : index
    %get3A_495 = arith.constant 0 : index
    %get3A_496 = vector.load %arg5[%get3A_493, %get3A_494, %get3A_495] : memref<32x128x128xbf16, #tpu.memory_space<vmem>>, vector<1x128x128xbf16>
    %get3A_497 = vector.shape_cast %get3A_496 : vector<1x128x128xbf16> to vector<128x128xbf16>
    %dot_general3A_498 = arith.constant dense<0.000000e+00> : vector<2560x128xf32>
    %dot_general3A_499 = tpu.matmul %convert_element_type3A_150, %get3A_497, %dot_general3A_498 {dimension_numbers = #tpu.dot_dimension_numbers<[1], [0], [0], [1], [0, 0, 1, 1], [], []>, transpose_lhs_hint = false} : vector<2560x128xbf16>, vector<128x128xbf16>, vector<2560x128xf32> -> vector<2560x128xf32>
    %slice3A_500 = vector.extract_strided_slice %convert_element_type3A_158 {offsets = [0, 30], sizes = [2560, 1], strides = [1, 1]} : vector<2560x32xf32> to vector<2560x1xf32>
    %mul3A_501 = vector.broadcast %slice3A_500 : vector<2560x1xf32> to vector<2560x128xf32>
    %mul3A_502 = arith.mulf %mul3A_501, %dot_general3A_499 : vector<2560x128xf32>
    %add3A_503 = arith.addf %add3A_492, %mul3A_502 : vector<2560x128xf32>
    %get3A_504 = arith.constant 31 : index
    %get3A_505 = arith.constant 0 : index
    %get3A_506 = arith.constant 0 : index
    %get3A_507 = vector.load %arg5[%get3A_504, %get3A_505, %get3A_506] : memref<32x128x128xbf16, #tpu.memory_space<vmem>>, vector<1x128x128xbf16>
    %get3A_508 = vector.shape_cast %get3A_507 : vector<1x128x128xbf16> to vector<128x128xbf16>
    %dot_general3A_509 = arith.constant dense<0.000000e+00> : vector<2560x128xf32>
    %dot_general3A_510 = tpu.matmul %convert_element_type3A_150, %get3A_508, %dot_general3A_509 {dimension_numbers = #tpu.dot_dimension_numbers<[1], [0], [0], [1], [0, 0, 1, 1], [], []>, transpose_lhs_hint = false} : vector<2560x128xbf16>, vector<128x128xbf16>, vector<2560x128xf32> -> vector<2560x128xf32>
    %slice3A_511 = vector.extract_strided_slice %convert_element_type3A_158 {offsets = [0, 31], sizes = [2560, 1], strides = [1, 1]} : vector<2560x32xf32> to vector<2560x1xf32>
    %mul3A_512 = vector.broadcast %slice3A_511 : vector<2560x1xf32> to vector<2560x128xf32>
    %mul3A_513 = arith.mulf %mul3A_512, %dot_general3A_510 : vector<2560x128xf32>
    %add3A_514 = arith.addf %add3A_503, %mul3A_513 : vector<2560x128xf32>
    %max3A = arith.constant 0.000000e+00 : f32
    %max3A_515 = vector.broadcast %max3A : f32 to vector<2560x128xf32>
    %max3A_516 = arith.maximumf %add3A_514, %max3A_515 : vector<2560x128xf32>
    %get3A_517 = arith.constant 0 : index
    %get3A_518 = arith.constant 0 : index
    %get3A_519 = vector.load %arg7[%get3A_517, %get3A_518] : memref<128x2560xf32, #tpu.memory_space<vmem>>, vector<128x2560xf32>
    %dot_general3A_520 = arith.constant dense<0.000000e+00> : vector<128x128xf32>
    %dot_general3A_521 = tpu.matmul %get3A_519, %max3A_516, %dot_general3A_520 {dimension_numbers = #tpu.dot_dimension_numbers<[1], [0], [0], [1], [0, 0, 1, 1], [], []>, transpose_lhs_hint = false} : vector<128x2560xf32>, vector<2560x128xf32>, vector<128x128xf32> -> vector<128x128xf32>
    %mul3A_522 = arith.constant 128 : i32
    %mul3A_523 = arith.muli %arg0, %mul3A_522 : i32
    %swap3A = arith.index_cast %mul3A_523 : i32 to index
    %swap3A_524 = arith.constant 0 : index
    %swap3A_525 = vector.load %arg11[%swap3A, %swap3A_524] : memref<2048x128xf32, #tpu.memory_space<vmem>>, vector<128x128xf32>
    tpu.vector_store %arg11[%swap3A, %swap3A_524], %dot_general3A_521 {strides = array<i32>} : memref<2048x128xf32, #tpu.memory_space<vmem>>, vector<128x128xf32>,
    %eq3A_526 = arith.constant 15 : i32
    %eq3A_527 = arith.cmpi eq, %arg0, %eq3A_526 : i32
    %convert_element_type3A_528 = arith.extui %eq3A_527 : i1 to i32
    %cond3A = arith.constant 0 : i32
    %cond3A_529 = arith.cmpi ne, %convert_element_type3A_528, %cond3A : i32
    scf.if %cond3A_529 {
      %get3A_530 = arith.constant 0 : index
      %get3A_531 = arith.constant 0 : index
      %get3A_532 = vector.load %arg11[%get3A_530, %get3A_531] : memref<2048x128xf32, #tpu.memory_space<vmem>>, vector<1024x128xf32>
      %get3A_533 = arith.constant 1024 : index
      %get3A_534 = arith.constant 0 : index
      %get3A_535 = vector.load %arg11[%get3A_533, %get3A_534] : memref<2048x128xf32, #tpu.memory_space<vmem>>, vector<1024x128xf32>
      %get3A_536 = arith.constant 0 : index
      %get3A_537 = arith.constant 0 : index
      %get3A_538 = vector.load %arg8[%get3A_536, %get3A_537] : memref<1024x1xi32, #tpu.memory_space<vmem>>, vector<1024x1xi32>
      %iota3A_539 = tpu.iota {dimensions = array<i32: 1>} : vector<1024x16xi32>
      %eq3A_540 = vector.broadcast %get3A_538 : vector<1024x1xi32> to vector<1024x16xi32>
      %eq3A_541 = arith.cmpi eq, %eq3A_540, %iota3A_539 : vector<1024x16xi32>
      %convert_element_type3A_542 = arith.extui %eq3A_541 : vector<1024x16xi1> to vector<1024x16xi32>
      %convert_element_type3A_543 = arith.sitofp %convert_element_type3A_542 : vector<1024x16xi32> to vector<1024x16xf32>
      %get3A_544 = arith.constant 0 : index
      %get3A_545 = arith.constant 0 : index
      %get3A_546 = vector.load %arg9[%get3A_544, %get3A_545] : memref<16x128xf32, #tpu.memory_space<vmem>>, vector<16x128xf32>
      %dot_general3A_547 = arith.constant dense<0.000000e+00> : vector<1024x128xf32>
      %dot_general3A_548 = tpu.matmul %convert_element_type3A_543, %get3A_546, %dot_general3A_547 {dimension_numbers = #tpu.dot_dimension_numbers<[1], [0], [0], [1], [0, 0, 1, 1], [], []>, transpose_lhs_hint = false} : vector<1024x16xf32>, vector<16x128xf32>, vector<1024x128xf32> -> vector<1024x128xf32>
      %add3A_549 = arith.addf %get3A_532, %dot_general3A_548 : vector<1024x128xf32>
      %sub3A_550 = arith.subf %add3A_549, %get3A_535 : vector<1024x128xf32>
      %mul3A_551 = arith.mulf %sub3A_550, %sub3A_550 : vector<1024x128xf32>
      %reduce_sum3A = arith.constant dense<0.000000e+00> : vector<1024xf32>
      %reduce_sum3A_552 = vector.multi_reduction <add>, %mul3A_551, %reduce_sum3A [1] : vector<1024x128xf32> to vector<1024xf32>
      %broadcast_in_dim3A_553 = vector.shape_cast %reduce_sum3A_552 : vector<1024xf32> to vector<1024x1xf32>
      %add3A_554 = arith.constant 9.99999996E-13 : f32
      %add3A_555 = vector.broadcast %add3A_554 : f32 to vector<1024x1xf32>
      %add3A_556 = arith.addf %broadcast_in_dim3A_553, %add3A_555 : vector<1024x1xf32>
      %sqrt3A = math.sqrt %add3A_556 : vector<1024x1xf32>
      %neg3A = arith.constant 0.000000e+00 : f32
      %neg3A_557 = vector.broadcast %neg3A : f32 to vector<1024x1xf32>
      %neg3A_558 = arith.subf %neg3A_557, %sqrt3A : vector<1024x1xf32>
      %swap3A_559 = arith.constant 0 : index
      %swap3A_560 = arith.constant 0 : index
      %swap3A_561 = vector.load %arg10[%swap3A_559, %swap3A_560] : memref<1024x1xf32, #tpu.memory_space<vmem>>, vector<1024x1xf32>
      tpu.vector_store %arg10[%swap3A_559, %swap3A_560], %neg3A_558 {strides = array<i32>} : memref<1024x1xf32, #tpu.memory_space<vmem>>, vector<1024x1xf32>,
    } else {
    }
    return
  }
  func.func @transform_0(%arg0: i32) -> (i32, i32) {
    %c0_i32 = arith.constant 0 : i32
    %c0_i32_0 = arith.constant 0 : i32
    return %arg0, %c0_i32 : i32, i32
  }
  func.func @transform_1(%arg0: i32) -> (i32, i32) {
    %c1_i32 = arith.constant 1 : i32
    %c0_i32 = arith.constant 0 : i32
    return %arg0, %c1_i32 : i32, i32
  }
  func.func @transform_2(%arg0: i32) -> (i32, i32) {
    %c0_i32 = arith.constant 0 : i32
    %c0_i32_0 = arith.constant 0 : i32
    return %arg0, %c0_i32 : i32, i32
  }
  func.func @transform_3(%arg0: i32) -> (i32, i32) {
    %c0_i32 = arith.constant 0 : i32
    %c0_i32_0 = arith.constant 0 : i32
    return %arg0, %c0_i32 : i32, i32
  }
  func.func @transform_4(%arg0: i32) -> (i32, i32, i32) {
    %c0_i32 = arith.constant 0 : i32
    %c0_i32_0 = arith.constant 0 : i32
    %c0_i32_1 = arith.constant 0 : i32
    %c0_i32_2 = arith.constant 0 : i32
    return %c0_i32, %c0_i32_0, %c0_i32_1 : i32, i32, i32
  }
  func.func @transform_5(%arg0: i32) -> (i32, i32) {
    %c0_i32 = arith.constant 0 : i32
    %c0_i32_0 = arith.constant 0 : i32
    %c0_i32_1 = arith.constant 0 : i32
    return %c0_i32, %c0_i32_0 : i32, i32
  }
  func.func @transform_6(%arg0: i32) -> (i32, i32) {
    %c0_i32 = arith.constant 0 : i32
    %c0_i32_0 = arith.constant 0 : i32
    %c0_i32_1 = arith.constant 0 : i32
    return %c0_i32, %c0_i32_0 : i32, i32
  }
  func.func @transform_7(%arg0: i32) -> (i32, i32) {
    %c0_i32 = arith.constant 0 : i32
    %c0_i32_0 = arith.constant 0 : i32
    %c0_i32_1 = arith.constant 0 : i32
    return %c0_i32, %c0_i32_0 : i32, i32
  }
  func.func @transform_8(%arg0: i32) -> (i32, i32) {
    %c0_i32 = arith.constant 0 : i32
    %c0_i32_0 = arith.constant 0 : i32
    %c0_i32_1 = arith.constant 0 : i32
    return %c0_i32, %c0_i32_0 : i32, i32
  }
  func.func @transform_9(%arg0: i32) -> (i32, i32) {
    %c0_i32 = arith.constant 0 : i32
    %c0_i32_0 = arith.constant 0 : i32
    %c0_i32_1 = arith.constant 0 : i32
    return %c0_i32, %c0_i32_0 : i32, i32
  }
}

</mosaic_0001>

<sc_bundles>
// kernel: kernel.4.cloned.1.call-start
scs
__scs_entry_jumppad:
0x0: {  	(pc) =	sbr.rel $0x88, $3  }
0x1: {  	(tag) =	ssettag $0x0;
	lr =	simm.s32 $0x1  }
0x2: {  	[smem:$0x3F8E] =	sst lr;
	_ =	strace $0xD0000000  }
0x3: {  	_ = 	snop  }
0x4: {  	_ = 	snop  }
0x5: {  	_ = 	snop  }
0x6: {  	_ = 	snop  }
0x7: {  	_ = 	snop  }
__scs_overlays_trampoline_lowered:
0x8: {  	[smem:$0x3F9D] =	sst s0  }
0x9: {  	[smem:$0x3F9E] =	sst s1  }
0xa: {  	[smem:$0x3F9F] =	sst s2  }
0xb: {  	[smem:$0x3FA0] =	sst s3  }
0xc: {  	[smem:$0x3FA1] =	sst s4  }
0xd: {  	[smem:$0x3FA2] =	sst s5  }
0xe: {  	[smem:$0x3FA3] =	sst s6  }
0xf: {  	[smem:$0x3FA4] =	sst s7  }
0x10: {  	[smem:$0x3FA5] =	sst s8  }
0x11: {  	[smem:$0x3FA6] =	sst s9;
	s0 =	simm.s32 @!p0 $0x0  }
0x12: {  	s1 =	sld [smem:$0x3F8C];
	s0 =	simm.s32 @p0 $0x1  }
0x13: {  	[smem:$0x3FA7] =	sst s0;
	s0 =	simm.s32 @!p1 $0x0  }
0x14: {  	s2 =	sld [smem:$0x3F8B];
	s0 =	simm.s32 @p1 $0x1  }
0x15: {  	[smem:$0x3FA8] =	sst s0;
	s0 =	simm.s32 @!p2 $0x0  }
0x16: {  	s3 =	sld [smem:$0x3FDB];
	s0 =	simm.s32 @p2 $0x1  }
0x17: {  	s4 =	simm.s32 $0x1BF5;
	[smem:$0x3FAA] =	sst s0  }
0x18: {  	s0 =	sld [smem:$0x3F8D];
	_ =	swait.ge [sflag:s4], $0x0  }
0x19: {  	s7 =	sld [smem:$0x3F8E]  }
0x1a: {  	s8 =	sadd.s32 $0xFFFFE003, lr  }
0x1b: {  	s9 =	sadd.s32 $0xFFFFFEF7, lr;
	s5 =	simm.s32 $0xFFFFFFFF;
	p2 =	slt.u32 s8, $0xFFFFF086  }
0x1c: {  	p1 =	slt.u32 s9, $0xF7A;
	s5 =	simm.s32 @!p2 $0x0  }
0x1d: {  	s5 =	simm.s32 @p1 $0x1;
	p0 =	seq.s32 s7, s2  }
0x1e: {  	s7 =	smul.u32 @!p0 $0xF7A, s2;
	p2 =	seq.s32 @!p0 s5, $0x0  }
0x1f: {  	s9 =	smul.u32 $0xF7A, s1;
	s8 =	simm.s32 @!p0 $0x1BF5;
	p2 =	por !p2, p0  }
0x20: {  	[sflag:s8] =	ssyncset.s32 @!p0 $0xFFFFF086;
	s6 =	sadd.s32 @!p0 s3, s7;
	s7 =	simm.s32 @!p0 $0x108  }
0x21: {  	s3 =	sadd.s32 s3, s9;
	s6 =	sadd.s32 @!p0 $0x88, s6;
	s7 =	simm.s32 @p2 $0x1082  }
0x22: {  	[simem:s7], [sflag:s8] =	dma.local @!p0 [hbm:s6], $0xF7A  }
0x23: {  	s9 =	sor.u32 $0xD0000000, s2;
	s6 =	simm.s32 $0x108;
	_ =	swait.ge @!p0 [sflag:s8], $0x0  }
0x24: {  	s3 =	sadd.s32 $0x88, s3;
	s6 =	simm.s32 @!p1 $0x1082;
	[sflag:s4] =	ssyncset.s32 $0xFFFFF086  }
0x25: {  	[simem:s6], [sflag:s4] =	dma.local [hbm:s3], $0xF7A  }
0x26: {  	[smem:$0x3F8E] =	sst s1;
	(tag) =	ssettag s2;
	_ =	strace s9  }
0x27: {  	s1 =	sld [smem:$0x3F9E]  }
0x28: {  	s2 =	sld [smem:$0x3F9F]  }
0x29: {  	s4 =	sld [smem:$0x3FA1]  }
0x2a: {  	p0 =	seq.s32 s5, $0x0;
	s5 =	sld [smem:$0x3FA2]  }
0x2b: {  	s6 =	sld [smem:$0x3FA3]  }
0x2c: {  	s7 =	sld [smem:$0x3FA4]  }
0x2d: {  	s3 =	simm.s32 $0x108;
	s8 =	sld [smem:$0x3FA5]  }
0x2e: {  	s3 =	simm.s32 @!p0 $0x1082;
	s9 =	sld [smem:$0x3FA6]  }
0x2f: {  	lr =	sadd.s32 s0, s3;
	s0 =	sld [smem:$0x3F9D]  }
0x30: {  	s3 =	sld [smem:$0x3FA0]  }
0x31: {  	[smem:$0x3FA9] =	sst s10  }
0x32: {  	s10 =	sld [smem:$0x3FA7];
	_ =	sdelay $0x3  }
0x33: {  	p0 =	seq.s32 s10, $0x1;
	s10 =	sld [smem:$0x3FA9];
	_ =	sdelay $0x3  }
0x34: {  	[smem:$0x3FA9] =	sst s10  }
0x35: {  	s10 =	sld [smem:$0x3FA8];
	_ =	sdelay $0x3  }
0x36: {  	p1 =	seq.s32 s10, $0x1;
	s10 =	sld [smem:$0x3FA9];
	_ =	sdelay $0x3  }
0x37: {  	[smem:$0x3FA9] =	sst s10  }
0x38: {  	s10 =	sld [smem:$0x3FAA]  }
0x39: {  	_ = 	snop;
	(pc) =	sbr.ind lr, $3  }
0x3a: {  	_ = 	snop  }
0x3b: {  	_ = 	snop  }
0x3c: {  	p2 =	seq.s32 s10, $0x1;
	s10 =	sld [smem:$0x3FA9]  }
0x3d: {  	_ =	shalt  }
0x3e: {  	_ =	shalt  }
0x3f: {  	_ =	shalt  }
0x40: {  	_ =	shalt  }
0x41: {  	_ =	shalt  }
0x42: {  	_ =	shalt  }
0x43: {  	_ =	shalt  }
0x44: {  	_ =	shalt  }
0x45: {  	_ =	shalt  }
0x46: {  	_ =	shalt  }
0x47: {  	_ =	shalt  }
0x48: {  	_ =	shalt  }
0x49: {  	_ =	shalt  }
0x4a: {  	_ =	shalt  }
0x4b: {  	_ =	shalt  }
0x4c: {  	_ =	shalt  }
0x4d: {  	_ =	shalt  }
0x4e: {  	_ =	shalt  }
0x4f: {  	_ =	shalt  }
0x50: {  	_ =	shalt  }
0x51: {  	_ =	shalt  }
0x52: {  	_ =	shalt  }
0x53: {  	_ =	shalt  }
0x54: {  	_ =	shalt  }
0x55: {  	_ =	shalt  }
0x56: {  	_ =	shalt  }
0x57: {  	_ =	shalt  }
0x58: {  	_ =	shalt  }
0x59: {  	_ =	shalt  }
0x5a: {  	_ =	shalt  }
0x5b: {  	_ =	shalt  }
0x5c: {  	_ =	shalt  }
0x5d: {  	_ =	shalt  }
0x5e: {  	_ =	shalt  }
0x5f: {  	_ =	shalt  }
0x60: {  	_ =	shalt  }
0x61: {  	_ =	shalt  }
0x62: {  	_ =	shalt  }
0x63: {  	_ =	shalt  }
0x64: {  	_ =	shalt  }
0x65: {  	_ =	shalt  }
0x66: {  	_ =	shalt  }
0x67: {  	_ =	shalt  }
0x68: {  	_ =	shalt  }
0x69: {  	_ =	shalt  }
0x6a: {  	_ =	shalt  }
0x6b: {  	_ =	shalt  }
0x6c: {  	_ =	shalt  }
0x6d: {  	_ =	shalt  }
0x6e: {  	_ =	shalt  }
0x6f: {  	_ =	shalt  }
0x70: {  	_ =	shalt  }
0x71: {  	_ =	shalt  }
0x72: {  	_ =	shalt  }
0x73: {  	_ =	shalt  }
0x74: {  	_ =	shalt  }
0x75: {  	_ =	shalt  }
0x76: {  	_ =	shalt  }
0x77: {  	_ =	shalt  }
0x78: {  	_ =	shalt  }
0x79: {  	_ =	shalt  }
0x7a: {  	_ =	shalt  }
0x7b: {  	_ =	shalt  }
0x7c: {  	_ =	shalt  }
0x7d: {  	_ =	shalt  }
0x7e: {  	_ =	shalt  }
0x7f: {  	_ =	shalt  }
0x80: {  	_ =	shalt  }
0x81: {  	_ =	shalt  }
0x82: {  	_ =	shalt  }
0x83: {  	_ =	shalt  }
0x84: {  	_ =	shalt  }
0x85: {  	_ =	shalt  }
0x86: {  	_ =	shalt  }
0x87: {  	_ =	shalt  }
.Lfunc_end0:
.L_simem_size_0:
called_computation_lowered:
.L_overlay_start_0:
0x88: {  	s2 =	sld [smem:$0x3FD9]  }
0x89: {  	s3 =	sld [smem:$0x3FFE];
	_ =	sdelay $0x1  }
0x8a: {  	s1 =	srdreg.scid  }
0x8b: {  	s0 =	sand.u32 $0x1, s1  }
0x8c: {  	s16 =	sshll.u32 s0, $0xA;
	s2 =	sadd.s32 s3, s2  }
0x8d: {  	s2 =	sadd.s32 s2, s16  }
0x8e: {  	[smem:$0x3FB5] =	sst s2  }
0x8f: {  	_ = 	snop  }
0x90: {  	(tm) =	ssettm $0x1  }
0x91: {  	s17 =	sld [smem:$0x3FFB];
	_ =	sdelay $0x3  }
0x92: {  	_ =	strace s17  }
0x93: {  	s2 =	sld [smem:$0x3FFC];
	_ =	sdelay $0x3  }
0x94: {  	_ =	strace s2  }
0x95: {  	s2 =	sld [smem:$0x3FFD];
	_ =	sdelay $0x3  }
0x96: {  	_ =	strace s2  }
0x97: {  	_ =	strace $0x8FFFFFFF  }
0x98: {  	s18 =	sld [smem:$0x3FDB];
	_ =	sdelay $0x1  }
0x99: {  	s19 =	simm.s32 $_scs_section_size  }
0x9a: {  	s4 =	simm.s32 $_size__tile_overlayer_lowered;
	s5 =	simm.s32 $_tile_overlayer_lowered  }
0x9b: {  	s22 =	simm.s32 $0x1BFF;
	s21 =	sshll.u32 s5, $0x1;
	s2 =	sadd.s32 s19, s18  }
0x9c: {  	s6 =	simm.s32 $0x0;
	s20 =	sshll.u32 s4, $0x1;
	s4 =	sadd.s32 s21, s2  }
0x9d: {  	[timem:s6], [sflag:s22] =	dma.local [hbm:s4], s20  }
0x9e: {  	_ =	swait.ge [sflag:s22], s20  }
0x9f: {  	s3 =	ssub.s32 $0x0, s20;
	[sflag:s22] =	ssyncset.done $0x0  }
0xa0: {  	[sflag:s22] =	ssyncadd.s32 s3;
	_ =	sdelay $0x1  }
0xa1: {  	s23 =	simm.s32 $0x1B8B  }
0xa2: {  	_ =	swait.ge [sflag:s23], $0x1  }
0xa3: {  	[sflag:s23] =	ssyncset.done $0x0  }
0xa4: {  	s25 =	simm.s32 $0x1B8E;
	s24 =	sld [smem:$0x3FFE];
	[sflag:s23] =	ssyncadd.s32 $0xFFFFFFFF  }
0xa5: {  	s26 =	simm.s32 $execute0_lowered;
	[smem:$0x3FD2] =	sst s25  }
0xa6: {  	s4 =	sshll.u32 s26, $0x1;
	_ =	strace $0x80000046;
	[dreg:$0x1] =	wrdreg $0xFFFFFFFF  }
0xa7: {  	s28 =	simm.s32 $_size_execute0_lowered;
	s2 =	sadd.s32 s2, s4;
	[dreg:$0x0] =	wrdreg $0x0  }
0xa8: {  	s4 =	sshll.u32 s28, $0x1;
	[dreg:$0x2] =	wrdreg s2  }
0xa9: {  	[dreg:$0x3] =	wrdreg s4  }
0xaa: {  	[dreg:$0x4] =	wrdreg $0xC0  }
0xab: {  	_ =	task [dreg:s6], $0x5FFFF  }
0xac: {  	[dreg:$0x1] =	wrdreg $0xFFFFFFFF  }
0xad: {  	[dreg:$0x0] =	wrdreg $0x60  }
0xae: {  	[dreg:$0x2] =	wrdreg s24  }
0xaf: {  	[dreg:$0x3] =	wrdreg $0x9  }
0xb0: {  	_ =	task.clear_ibuf [dreg:s6], $0x4FFFF;
	_ =	strace $0x90000046  }
0xb1: {  	s29 =	simm.s32 $0x9;
	_ =	strace $0x80000048  }
0xb2: {  	_ =	swait.ge [sflag:s29], $0x1  }
0xb3: {  	[sflag:s29] =	ssyncadd.s32 $0xFFFFFFFF  }
0xb4: {  	_ =	strace $0x90000048  }
0xb5: {  	_ =	sfence  }
0xb6: {  	s30 =	sld [smem:$0x0];
	_ =	sdelay $0x2  }
0xb7: {  	s31 =	sshll.u32 s1, $0xD;
	s1 =	sshrl.u32 s1, $0x2  }
0xb8: {  	s3 =	sand.u32 $0x4000, s31;
	s1 =	sadd.s32 s1, s30  }
0xb9: {  	s0 =	sor.u32 s3, s0;
	s1 =	sshll.u32 s1, $0x11  }
0xba: {  	s0 =	sor.u32 s1, s0  }
0xbb: {  	s0 =	sadd.s32 $0x8F2B, s0  }
0xbc: {  	[sflag:s0] =	ssyncadd.remote.s32 $0x1  }
0xbd: {  	_ =	sfence.sel $0xFFFF  }
0xbe: {  	[dreg:$0x0] =	wrdreg $0xFFFFFFFF;
	(pc) =	sbr.abs _section_cstart, $3  }
0xbf: {  	[dreg:$0x1] =	wrdreg $0xFFFFFFFF  }
0xc0: {  	_ =	task.clear_ibuf [dreg:s6], $0x2FFFF;
	_ =	strace $0x9FFFFFFF  }
0xc1: {  	(tm) =	ssettm $0x7FFFFFFF  }
tec
execute0_lowered:
.L_overlay_start_1:
0x0: {  	(tag) =	ssettag $0x1  }
0x1: {  	s0 =	srdreg.scid  }
0x2: {  	s1 =	stileid.u32;
	s3 =	rddreg [dreg:$0x0];
	s2 =	simm.s32 $0x0  }
0x3: {  	s30 =	simm.s32 $0x500;
	s28 =	simm.s32 $0xA500;
	s31 =	simm.s32 $0x2500  }
0x4: {  	s7 =	simm.s32 $0x14D00;
	s8 =	simm.s32 $0x16D00;
	s9 =	simm.s32 $0x17500  }
0x5: {  	s10 =	simm.s32 $0x17D00;
	s11 =	simm.s32 $0x18500;
	s12 =	simm.s32 $0x18D00  }
0x6: {  	s13 =	simm.s32 $0x19500;
	s14 =	simm.s32 $0x19D00;
	s15 =	simm.s32 $0x1A500  }
0x7: {  	s16 =	simm.s32 $0x1AD00;
	s0 =	sand.u32 $0x1, s0;
	s1 =	sshll.u32 s1, $0x1  }
0x8: {  	s17 =	simm.s32 $0x1B500;
	s18 =	simm.s32 $0x1BD00;
	s1 =	sor.u32 s0, s1  }
0x9: {  	s19 =	simm.s32 $0x1C500;
	s29 =	simm.s32 $0x1DD00;
	s4 =	smul.u32 $0xA0, s1  }
0xa: {  	[smem:$0x7FF] =	sst s2;
	s6 =	sadd.s32 $0x51E00, s3;
	s5 =	smul.u32 $0xA000, s1  }
0xb: {  	_ =	strace $0x80000047;
	s0 =	ssub.s32 $0x2, s0;
	s1 =	smul.u32 $0x50000, s1  }
0xc: {  	s25 =	sshrl.u32 s0, $0x1;
	s4 =	sadd.s32 s4, s3;
	s5 =	sadd.s32 s6, s5  }
0xd: {  	s1 =	sshrl.u32 s1, $0x3;
	s4 =	sadd.s32 $0x2800, s4;
	[dreg:$0xa] =	wrdreg s5  }
0xe: {  	s20 =	sadd.s32 $0x1400, s5;
	s1 =	sadd.s32 s6, s1;
	[dreg:$0x2] =	wrdreg s4  }
0xf: {  	s0 =	ssub.s32 s0, s25;
	[dreg:$0x3] =	wrdreg s20;
	s21 =	sadd.s32 $0x2800, s1  }
0x10: {  	s5 =	smax.u32 s0, $0x1;
	s22 =	sadd.s32 $0x3C00, s1;
	[dreg:$0x4] =	wrdreg s21  }
0x11: {  	s6 =	simm.s32 $0x4;
	s23 =	sadd.s32 $0x5000, s1;
	[dreg:$0x5] =	wrdreg s22  }
0x12: {  	s4 =	sadd.s32 $0x3C00, s3;
	s24 =	sadd.s32 $0x6400, s1;
	[dreg:$0x6] =	wrdreg s23  }
0x13: {  	s26 =	sadd.s32 $0x7800, s1;
	s1 =	sadd.s32 $0x8C00, s1;
	[dreg:$0x7] =	wrdreg s24  }
0x14: {  	v2 =	vlaneseq.u32;
	s3 =	simm.s32 $0x16500;
	s20 =	simm.s32 $0x1CD00;
	[dreg:$0x8] =	wrdreg s26  }
0x15: {  	vm0 =	vmmov $0xffff;
	v1 =	vshrl.u32 v2, $0x3;
	[dreg:$0x9] =	wrdreg s1;
	s22 =	simm.s32 $0x1;
	s23 =	simm.s32 $0x2  }
0x16: {  	v0 =	vand.u32 $0x7, v2;
	v2 =	vor.u32 $0x8, v2;
	v1 =	vmul.u32 $0x8, v1;
	s24 =	simm.s32 $0x3;
	s21 =	simm.s32 $0x15500;
	s26 =	simm.s32 $0x1D500  }
.LBB2_1:
0x17: {  	s25 =	rddreg [dreg:$0x2]  }
0x18: {  	[tilespmem:s2], [sflag:$0x4] =	stream.linear.gather [hbm4b:s25+s2], $0x500, $0x38;
	[tilespmem:$0x1E500] =	vst v63  }
0x19: {  	_ =	swait.ge [sflag:s6], $0x500  }
0x1a: {  	[sflag:s6] =	ssyncset.done $0x0  }
0x1b: {  	[sflag:s6] =	ssyncadd.s32 $0xFFFFFB00  }
0x1c: {  	v3 =	vld [tilespmem:$0x0];
	_ =	sdelay $0x4  }
0x1d: {  	v4 =	vshll.u32 v3, $0x1  }
0x1e: {  	v3 =	vand.u32 $0x7, v3;
	v4 =	vand.u32 $0xFFFFFFF0, v4  }
0x1f: {  	v3 =	vor.u32 v3, v4  }
0x20: {  	v4 =	vperm.xlane v3, v0;
	_ =	sdelay $0x1  }
0x21: {  	v3 =	vperm.xlane v3, v2;
	v4 =	vadd.s32 v1, v4;
	_ =	sdelay $0x1  }
0x22: {  	v3 =	vadd.s32 v1, v3;
	_ =	sdelay $0x2  }
0x23: {  	[tilespmem:s30], [sflag:$0x1] =	stream.indirect_vreg.gather [hbm4b:s4+s2], $0x80, v4, vm0, $0xb8;
	[tilespmem:$0x1E500] =	vst v63  }
0x24: {  	s0 =	simm.s32 $0xD00  }
0x25: {  	[tilespmem:s0], [sflag:$0x1] =	stream.indirect_vreg.gather [hbm4b:s4+s2], $0x80, v3, vm0, $0xb8;
	[tilespmem:$0x1E500] =	vst v63  }
0x26: {  	v3 =	vld [tilespmem:$0x10];
	_ =	sdelay $0x4  }
0x27: {  	v41 =	vshll.u32 v3, $0x1  }
0x28: {  	v3 =	vand.u32 $0x7, v3;
	v4 =	vand.u32 $0xFFFFFFF0, v41  }
0x29: {  	v3 =	vor.u32 v3, v4  }
0x2a: {  	v4 =	vperm.xlane v3, v0;
	_ =	sdelay $0x1  }
0x2b: {  	v3 =	vperm.xlane v3, v2;
	v4 =	vadd.s32 v1, v4;
	_ =	sdelay $0x1  }
0x2c: {  	v3 =	vadd.s32 v1, v3;
	_ =	sdelay $0x1  }
0x2d: {  	s1 =	simm.s32 $0x1500  }
0x2e: {  	[tilespmem:s1], [sflag:$0x1] =	stream.indirect_vreg.gather [hbm4b:s4+s2], $0x80, v4, vm0, $0xb8;
	[tilespmem:$0x1E500] =	vst v63  }
0x2f: {  	s25 =	simm.s32 $0x1D00  }
0x30: {  	[tilespmem:s25], [sflag:$0x1] =	stream.indirect_vreg.gather [hbm4b:s4+s2], $0x80, v3, vm0, $0xb8;
	[tilespmem:$0x1E500] =	vst v63  }
0x31: {  	v3 =	vld [tilespmem:$0x20];
	_ =	sdelay $0x4  }
0x32: {  	v42 =	vshll.u32 v3, $0x1  }
0x33: {  	v3 =	vand.u32 $0x7, v3;
	v4 =	vand.u32 $0xFFFFFFF0, v42  }
0x34: {  	v3 =	vor.u32 v3, v4  }
0x35: {  	v4 =	vperm.xlane v3, v0;
	_ =	sdelay $0x1  }
0x36: {  	v3 =	vperm.xlane v3, v2;
	v4 =	vadd.s32 v1, v4;
	_ =	sdelay $0x1  }
0x37: {  	v3 =	vadd.s32 v1, v3;
	_ =	sdelay $0x2  }
0x38: {  	[tilespmem:s31], [sflag:$0x1] =	stream.indirect_vreg.gather [hbm4b:s4+s2], $0x80, v4, vm0, $0xb8;
	[tilespmem:$0x1E500] =	vst v63  }
0x39: {  	s1 =	simm.s32 $0x2D00  }
0x3a: {  	[tilespmem:s1], [sflag:$0x1] =	stream.indirect_vreg.gather [hbm4b:s4+s2], $0x80, v3, vm0, $0xb8;
	[tilespmem:$0x1E500] =	vst v63  }
0x3b: {  	v3 =	vld [tilespmem:$0x30];
	_ =	sdelay $0x4  }
0x3c: {  	v43 =	vshll.u32 v3, $0x1  }
0x3d: {  	v3 =	vand.u32 $0x7, v3;
	v4 =	vand.u32 $0xFFFFFFF0, v43  }
0x3e: {  	v3 =	vor.u32 v3, v4  }
0x3f: {  	v4 =	vperm.xlane v3, v0;
	_ =	sdelay $0x1  }
0x40: {  	v3 =	vperm.xlane v3, v2;
	v4 =	vadd.s32 v1, v4;
	_ =	sdelay $0x1  }
0x41: {  	v3 =	vadd.s32 v1, v3;
	_ =	sdelay $0x1  }
0x42: {  	s25 =	simm.s32 $0x3500  }
0x43: {  	[tilespmem:s25], [sflag:$0x1] =	stream.indirect_vreg.gather [hbm4b:s4+s2], $0x80, v4, vm0, $0xb8;
	[tilespmem:$0x1E500] =	vst v63  }
0x44: {  	s1 =	simm.s32 $0x3D00  }
0x45: {  	[tilespmem:s1], [sflag:$0x1] =	stream.indirect_vreg.gather [hbm4b:s4+s2], $0x80, v3, vm0, $0xb8;
	[tilespmem:$0x1E500] =	vst v63  }
0x46: {  	v3 =	vld [tilespmem:$0x40];
	_ =	sdelay $0x4  }
0x47: {  	v44 =	vshll.u32 v3, $0x1  }
0x48: {  	v3 =	vand.u32 $0x7, v3;
	v4 =	vand.u32 $0xFFFFFFF0, v44  }
0x49: {  	v3 =	vor.u32 v3, v4  }
0x4a: {  	v4 =	vperm.xlane v3, v0;
	_ =	sdelay $0x1  }
0x4b: {  	v3 =	vperm.xlane v3, v2;
	v4 =	vadd.s32 v1, v4;
	_ =	sdelay $0x1  }
0x4c: {  	v3 =	vadd.s32 v1, v3;
	_ =	sdelay $0x1  }
0x4d: {  	s25 =	simm.s32 $0x4500  }
0x4e: {  	[tilespmem:s25], [sflag:$0x1] =	stream.indirect_vreg.gather [hbm4b:s4+s2], $0x80, v4, vm0, $0xb8;
	[tilespmem:$0x1E500] =	vst v63  }
0x4f: {  	s1 =	simm.s32 $0x4D00  }
0x50: {  	[tilespmem:s1], [sflag:$0x1] =	stream.indirect_vreg.gather [hbm4b:s4+s2], $0x80, v3, vm0, $0xb8;
	[tilespmem:$0x1E500] =	vst v63  }
0x51: {  	v3 =	vld [tilespmem:$0x50];
	_ =	sdelay $0x4  }
0x52: {  	v45 =	vshll.u32 v3, $0x1  }
0x53: {  	v3 =	vand.u32 $0x7, v3;
	v4 =	vand.u32 $0xFFFFFFF0, v45  }
0x54: {  	v3 =	vor.u32 v3, v4  }
0x55: {  	v4 =	vperm.xlane v3, v0;
	_ =	sdelay $0x1  }
0x56: {  	v3 =	vperm.xlane v3, v2;
	v4 =	vadd.s32 v1, v4;
	_ =	sdelay $0x1  }
0x57: {  	v3 =	vadd.s32 v1, v3;
	_ =	sdelay $0x1  }
0x58: {  	s25 =	simm.s32 $0x5500  }
0x59: {  	[tilespmem:s25], [sflag:$0x1] =	stream.indirect_vreg.gather [hbm4b:s4+s2], $0x80, v4, vm0, $0xb8;
	[tilespmem:$0x1E500] =	vst v63  }
0x5a: {  	s1 =	simm.s32 $0x5D00  }
0x5b: {  	[tilespmem:s1], [sflag:$0x1] =	stream.indirect_vreg.gather [hbm4b:s4+s2], $0x80, v3, vm0, $0xb8;
	[tilespmem:$0x1E500] =	vst v63  }
0x5c: {  	v3 =	vld [tilespmem:$0x60];
	_ =	sdelay $0x4  }
0x5d: {  	v46 =	vshll.u32 v3, $0x1  }
0x5e: {  	v3 =	vand.u32 $0x7, v3;
	v4 =	vand.u32 $0xFFFFFFF0, v46  }
0x5f: {  	v3 =	vor.u32 v3, v4  }
0x60: {  	v4 =	vperm.xlane v3, v0;
	_ =	sdelay $0x1  }
0x61: {  	v3 =	vperm.xlane v3, v2;
	v4 =	vadd.s32 v1, v4;
	_ =	sdelay $0x1  }
0x62: {  	v3 =	vadd.s32 v1, v3;
	_ =	sdelay $0x1  }
0x63: {  	s25 =	simm.s32 $0x6500  }
0x64: {  	[tilespmem:s25], [sflag:$0x1] =	stream.indirect_vreg.gather [hbm4b:s4+s2], $0x80, v4, vm0, $0xb8;
	[tilespmem:$0x1E500] =	vst v63  }
0x65: {  	s1 =	simm.s32 $0x6D00  }
0x66: {  	[tilespmem:s1], [sflag:$0x1] =	stream.indirect_vreg.gather [hbm4b:s4+s2], $0x80, v3, vm0, $0xb8;
	[tilespmem:$0x1E500] =	vst v63  }
0x67: {  	v3 =	vld [tilespmem:$0x70];
	_ =	sdelay $0x4  }
0x68: {  	v47 =	vshll.u32 v3, $0x1  }
0x69: {  	v3 =	vand.u32 $0x7, v3;
	v4 =	vand.u32 $0xFFFFFFF0, v47  }
0x6a: {  	v3 =	vor.u32 v3, v4  }
0x6b: {  	v4 =	vperm.xlane v3, v0;
	_ =	sdelay $0x1  }
0x6c: {  	v3 =	vperm.xlane v3, v2;
	v4 =	vadd.s32 v1, v4;
	_ =	sdelay $0x1  }
0x6d: {  	v3 =	vadd.s32 v1, v3;
	_ =	sdelay $0x1  }
0x6e: {  	s25 =	simm.s32 $0x7500  }
0x6f: {  	[tilespmem:s25], [sflag:$0x1] =	stream.indirect_vreg.gather [hbm4b:s4+s2], $0x80, v4, vm0, $0xb8;
	[tilespmem:$0x1E500] =	vst v63  }
0x70: {  	s1 =	simm.s32 $0x7D00  }
0x71: {  	[tilespmem:s1], [sflag:$0x1] =	stream.indirect_vreg.gather [hbm4b:s4+s2], $0x80, v3, vm0, $0xb8;
	[tilespmem:$0x1E500] =	vst v63  }
0x72: {  	v3 =	vld [tilespmem:$0x80];
	_ =	sdelay $0x4  }
0x73: {  	v48 =	vshll.u32 v3, $0x1  }
0x74: {  	v3 =	vand.u32 $0x7, v3;
	v4 =	vand.u32 $0xFFFFFFF0, v48  }
0x75: {  	v3 =	vor.u32 v3, v4  }
0x76: {  	v4 =	vperm.xlane v3, v0;
	_ =	sdelay $0x1  }
0x77: {  	v3 =	vperm.xlane v3, v2;
	v4 =	vadd.s32 v1, v4;
	_ =	sdelay $0x1  }
0x78: {  	v3 =	vadd.s32 v1, v3;
	_ =	sdelay $0x1  }
0x79: {  	s25 =	simm.s32 $0x8500  }
0x7a: {  	[tilespmem:s25], [sflag:$0x1] =	stream.indirect_vreg.gather [hbm4b:s4+s2], $0x80, v4, vm0, $0xb8;
	[tilespmem:$0x1E500] =	vst v63  }
0x7b: {  	s1 =	simm.s32 $0x8D00  }
0x7c: {  	[tilespmem:s1], [sflag:$0x1] =	stream.indirect_vreg.gather [hbm4b:s4+s2], $0x80, v3, vm0, $0xb8;
	[tilespmem:$0x1E500] =	vst v63  }
0x7d: {  	v3 =	vld [tilespmem:$0x90];
	_ =	sdelay $0x4  }
0x7e: {  	v49 =	vshll.u32 v3, $0x1  }
0x7f: {  	v3 =	vand.u32 $0x7, v3;
	v4 =	vand.u32 $0xFFFFFFF0, v49  }
0x80: {  	v3 =	vor.u32 v3, v4  }
0x81: {  	v4 =	vperm.xlane v3, v0;
	_ =	sdelay $0x1  }
0x82: {  	v3 =	vperm.xlane v3, v2;
	v4 =	vadd.s32 v1, v4;
	_ =	sdelay $0x1  }
0x83: {  	v3 =	vadd.s32 v1, v3;
	_ =	sdelay $0x1  }
0x84: {  	s25 =	simm.s32 $0x9500  }
0x85: {  	[tilespmem:s25], [sflag:$0x1] =	stream.indirect_vreg.gather [hbm4b:s4+s2], $0x80, v4, vm0, $0xb8;
	[tilespmem:$0x1E500] =	vst v63  }
0x86: {  	s1 =	simm.s32 $0x9D00  }
0x87: {  	[tilespmem:s1], [sflag:$0x1] =	stream.indirect_vreg.gather [hbm4b:s4+s2], $0x80, v3, vm0, $0xb8;
	[tilespmem:$0x1E500] =	vst v63  }
0x88: {  	v3 =	vld [tilespmem:$0xA0];
	_ =	sdelay $0x4  }
0x89: {  	v50 =	vshll.u32 v3, $0x1  }
0x8a: {  	v3 =	vand.u32 $0x7, v3;
	v4 =	vand.u32 $0xFFFFFFF0, v50  }
0x8b: {  	v3 =	vor.u32 v3, v4  }
0x8c: {  	v4 =	vperm.xlane v3, v0;
	_ =	sdelay $0x1  }
0x8d: {  	v3 =	vperm.xlane v3, v2;
	v4 =	vadd.s32 v1, v4;
	_ =	sdelay $0x1  }
0x8e: {  	v3 =	vadd.s32 v1, v3;
	_ =	sdelay $0x2  }
0x8f: {  	[tilespmem:s28], [sflag:$0x2] =	stream.indirect_vreg.gather [hbm4b:s4+s2], $0x80, v4, vm0, $0xb8;
	[tilespmem:$0x1E500] =	vst v63  }
0x90: {  	s25 =	simm.s32 $0xAD00  }
0x91: {  	[tilespmem:s25], [sflag:$0x2] =	stream.indirect_vreg.gather [hbm4b:s4+s2], $0x80, v3, vm0, $0xb8;
	[tilespmem:$0x1E500] =	vst v63  }
0x92: {  	v3 =	vld [tilespmem:$0xB0];
	_ =	sdelay $0x4  }
0x93: {  	v51 =	vshll.u32 v3, $0x1  }
0x94: {  	v3 =	vand.u32 $0x7, v3;
	v4 =	vand.u32 $0xFFFFFFF0, v51  }
0x95: {  	v3 =	vor.u32 v3, v4  }
0x96: {  	v4 =	vperm.xlane v3, v0;
	_ =	sdelay $0x1  }
0x97: {  	v3 =	vperm.xlane v3, v2;
	v4 =	vadd.s32 v1, v4;
	_ =	sdelay $0x1  }
0x98: {  	v3 =	vadd.s32 v1, v3;
	_ =	sdelay $0x1  }
0x99: {  	s1 =	simm.s32 $0xB500  }
0x9a: {  	[tilespmem:s1], [sflag:$0x2] =	stream.indirect_vreg.gather [hbm4b:s4+s2], $0x80, v4, vm0, $0xb8;
	[tilespmem:$0x1E500] =	vst v63  }
0x9b: {  	s25 =	simm.s32 $0xBD00  }
0x9c: {  	[tilespmem:s25], [sflag:$0x2] =	stream.indirect_vreg.gather [hbm4b:s4+s2], $0x80, v3, vm0, $0xb8;
	[tilespmem:$0x1E500] =	vst v63  }
0x9d: {  	v3 =	vld [tilespmem:$0xC0];
	_ =	sdelay $0x4  }
0x9e: {  	v52 =	vshll.u32 v3, $0x1  }
0x9f: {  	v3 =	vand.u32 $0x7, v3;
	v4 =	vand.u32 $0xFFFFFFF0, v52  }
0xa0: {  	v3 =	vor.u32 v3, v4  }
0xa1: {  	v4 =	vperm.xlane v3, v0;
	_ =	sdelay $0x1  }
0xa2: {  	v3 =	vperm.xlane v3, v2;
	v4 =	vadd.s32 v1, v4;
	_ =	sdelay $0x1  }
0xa3: {  	v3 =	vadd.s32 v1, v3;
	_ =	sdelay $0x1  }
0xa4: {  	s1 =	simm.s32 $0xC500  }
0xa5: {  	[tilespmem:s1], [sflag:$0x2] =	stream.indirect_vreg.gather [hbm4b:s4+s2], $0x80, v4, vm0, $0xb8;
	[tilespmem:$0x1E500] =	vst v63  }
0xa6: {  	s25 =	simm.s32 $0xCD00  }
0xa7: {  	[tilespmem:s25], [sflag:$0x2] =	stream.indirect_vreg.gather [hbm4b:s4+s2], $0x80, v3, vm0, $0xb8;
	[tilespmem:$0x1E500] =	vst v63  }
0xa8: {  	v3 =	vld [tilespmem:$0xD0];
	_ =	sdelay $0x4  }
0xa9: {  	v53 =	vshll.u32 v3, $0x1  }
0xaa: {  	v3 =	vand.u32 $0x7, v3;
	v4 =	vand.u32 $0xFFFFFFF0, v53  }
0xab: {  	v3 =	vor.u32 v3, v4  }
0xac: {  	v4 =	vperm.xlane v3, v0;
	_ =	sdelay $0x1  }
0xad: {  	v3 =	vperm.xlane v3, v2;
	v4 =	vadd.s32 v1, v4;
	_ =	sdelay $0x1  }
0xae: {  	v3 =	vadd.s32 v1, v3;
	_ =	sdelay $0x1  }
0xaf: {  	s1 =	simm.s32 $0xD500  }
0xb0: {  	[tilespmem:s1], [sflag:$0x2] =	stream.indirect_vreg.gather [hbm4b:s4+s2], $0x80, v4, vm0, $0xb8;
	[tilespmem:$0x1E500] =	vst v63  }
0xb1: {  	s25 =	simm.s32 $0xDD00  }
0xb2: {  	[tilespmem:s25], [sflag:$0x2] =	stream.indirect_vreg.gather [hbm4b:s4+s2], $0x80, v3, vm0, $0xb8;
	[tilespmem:$0x1E500] =	vst v63  }
0xb3: {  	v3 =	vld [tilespmem:$0xE0];
	_ =	sdelay $0x4  }
0xb4: {  	v54 =	vshll.u32 v3, $0x1  }
0xb5: {  	v3 =	vand.u32 $0x7, v3;
	v4 =	vand.u32 $0xFFFFFFF0, v54  }
0xb6: {  	v3 =	vor.u32 v3, v4  }
0xb7: {  	v4 =	vperm.xlane v3, v0;
	_ =	sdelay $0x1  }
0xb8: {  	v3 =	vperm.xlane v3, v2;
	v4 =	vadd.s32 v1, v4;
	_ =	sdelay $0x1  }
0xb9: {  	v3 =	vadd.s32 v1, v3;
	_ =	sdelay $0x1  }
0xba: {  	s1 =	simm.s32 $0xE500  }
0xbb: {  	[tilespmem:s1], [sflag:$0x2] =	stream.indirect_vreg.gather [hbm4b:s4+s2], $0x80, v4, vm0, $0xb8;
	[tilespmem:$0x1E500] =	vst v63  }
0xbc: {  	s25 =	simm.s32 $0xED00  }
0xbd: {  	[tilespmem:s25], [sflag:$0x2] =	stream.indirect_vreg.gather [hbm4b:s4+s2], $0x80, v3, vm0, $0xb8;
	[tilespmem:$0x1E500] =	vst v63  }
0xbe: {  	v3 =	vld [tilespmem:$0xF0];
	_ =	sdelay $0x4  }
0xbf: {  	v55 =	vshll.u32 v3, $0x1  }
0xc0: {  	v3 =	vand.u32 $0x7, v3;
	v4 =	vand.u32 $0xFFFFFFF0, v55  }
0xc1: {  	v3 =	vor.u32 v3, v4  }
0xc2: {  	v4 =	vperm.xlane v3, v0;
	_ =	sdelay $0x1  }
0xc3: {  	v3 =	vperm.xlane v3, v2;
	v4 =	vadd.s32 v1, v4;
	_ =	sdelay $0x1  }
0xc4: {  	v3 =	vadd.s32 v1, v3;
	_ =	sdelay $0x1  }
0xc5: {  	s1 =	simm.s32 $0xF500  }
0xc6: {  	[tilespmem:s1], [sflag:$0x2] =	stream.indirect_vreg.gather [hbm4b:s4+s2], $0x80, v4, vm0, $0xb8;
	[tilespmem:$0x1E500] =	vst v63  }
0xc7: {  	s25 =	simm.s32 $0xFD00  }
0xc8: {  	[tilespmem:s25], [sflag:$0x2] =	stream.indirect_vreg.gather [hbm4b:s4+s2], $0x80, v3, vm0, $0xb8;
	[tilespmem:$0x1E500] =	vst v63  }
0xc9: {  	v3 =	vld [tilespmem:$0x100];
	_ =	sdelay $0x4  }
0xca: {  	v56 =	vshll.u32 v3, $0x1  }
0xcb: {  	v3 =	vand.u32 $0x7, v3;
	v4 =	vand.u32 $0xFFFFFFF0, v56  }
0xcc: {  	v3 =	vor.u32 v3, v4  }
0xcd: {  	v4 =	vperm.xlane v3, v0;
	_ =	sdelay $0x1  }
0xce: {  	v3 =	vperm.xlane v3, v2;
	v4 =	vadd.s32 v1, v4;
	_ =	sdelay $0x1  }
0xcf: {  	v3 =	vadd.s32 v1, v3;
	_ =	sdelay $0x1  }
0xd0: {  	s1 =	simm.s32 $0x10500  }
0xd1: {  	[tilespmem:s1], [sflag:$0x2] =	stream.indirect_vreg.gather [hbm4b:s4+s2], $0x80, v4, vm0, $0xb8;
	[tilespmem:$0x1E500] =	vst v63  }
0xd2: {  	s25 =	simm.s32 $0x10D00  }
0xd3: {  	[tilespmem:s25], [sflag:$0x2] =	stream.indirect_vreg.gather [hbm4b:s4+s2], $0x80, v3, vm0, $0xb8;
	[tilespmem:$0x1E500] =	vst v63  }
0xd4: {  	v3 =	vld [tilespmem:$0x110];
	_ =	sdelay $0x4  }
0xd5: {  	v57 =	vshll.u32 v3, $0x1  }
0xd6: {  	v3 =	vand.u32 $0x7, v3;
	v4 =	vand.u32 $0xFFFFFFF0, v57  }
0xd7: {  	v3 =	vor.u32 v3, v4  }
0xd8: {  	v4 =	vperm.xlane v3, v0;
	_ =	sdelay $0x1  }
0xd9: {  	v3 =	vperm.xlane v3, v2;
	v4 =	vadd.s32 v1, v4;
	_ =	sdelay $0x1  }
0xda: {  	v3 =	vadd.s32 v1, v3;
	_ =	sdelay $0x1  }
0xdb: {  	s1 =	simm.s32 $0x11500  }
0xdc: {  	[tilespmem:s1], [sflag:$0x2] =	stream.indirect_vreg.gather [hbm4b:s4+s2], $0x80, v4, vm0, $0xb8;
	[tilespmem:$0x1E500] =	vst v63  }
0xdd: {  	s25 =	simm.s32 $0x11D00  }
0xde: {  	[tilespmem:s25], [sflag:$0x2] =	stream.indirect_vreg.gather [hbm4b:s4+s2], $0x80, v3, vm0, $0xb8;
	[tilespmem:$0x1E500] =	vst v63  }
0xdf: {  	v3 =	vld [tilespmem:$0x120];
	_ =	sdelay $0x4  }
0xe0: {  	v58 =	vshll.u32 v3, $0x1  }
0xe1: {  	v3 =	vand.u32 $0x7, v3;
	v4 =	vand.u32 $0xFFFFFFF0, v58  }
0xe2: {  	v3 =	vor.u32 v3, v4  }
0xe3: {  	v4 =	vperm.xlane v3, v0;
	_ =	sdelay $0x1  }
0xe4: {  	v3 =	vperm.xlane v3, v2;
	v4 =	vadd.s32 v1, v4;
	_ =	sdelay $0x1  }
0xe5: {  	v3 =	vadd.s32 v1, v3;
	_ =	sdelay $0x1  }
0xe6: {  	s1 =	simm.s32 $0x12500  }
0xe7: {  	[tilespmem:s1], [sflag:$0x2] =	stream.indirect_vreg.gather [hbm4b:s4+s2], $0x80, v4, vm0, $0xb8;
	[tilespmem:$0x1E500] =	vst v63  }
0xe8: {  	s25 =	simm.s32 $0x12D00  }
0xe9: {  	[tilespmem:s25], [sflag:$0x2] =	stream.indirect_vreg.gather [hbm4b:s4+s2], $0x80, v3, vm0, $0xb8;
	[tilespmem:$0x1E500] =	vst v63  }
0xea: {  	v3 =	vld [tilespmem:$0x130];
	_ =	sdelay $0x4  }
0xeb: {  	v59 =	vshll.u32 v3, $0x1  }
0xec: {  	v3 =	vand.u32 $0x7, v3;
	v4 =	vand.u32 $0xFFFFFFF0, v59  }
0xed: {  	v3 =	vor.u32 v3, v4  }
0xee: {  	v4 =	vperm.xlane v3, v0;
	_ =	sdelay $0x1  }
0xef: {  	v3 =	vperm.xlane v3, v2;
	v4 =	vadd.s32 v1, v4;
	_ =	sdelay $0x1  }
0xf0: {  	v3 =	vadd.s32 v1, v3;
	_ =	sdelay $0x1  }
0xf1: {  	s1 =	simm.s32 $0x13500  }
0xf2: {  	[tilespmem:s1], [sflag:$0x2] =	stream.indirect_vreg.gather [hbm4b:s4+s2], $0x80, v4, vm0, $0xb8;
	[tilespmem:$0x1E500] =	vst v63  }
0xf3: {  	s25 =	simm.s32 $0x13D00  }
0xf4: {  	[tilespmem:s25], [sflag:$0x2] =	stream.indirect_vreg.gather [hbm4b:s4+s2], $0x80, v3, vm0, $0xb8;
	[tilespmem:$0x1E500] =	vst v63  }
0xf5: {  	v3 =	vld [tilespmem:$0x140];
	_ =	sdelay $0x4  }
0xf6: {  	v60 =	vshll.u32 v3, $0x1  }
0xf7: {  	v3 =	vand.u32 $0x7, v3;
	v4 =	vand.u32 $0xFFFFFFF0, v60  }
0xf8: {  	v3 =	vor.u32 v3, v4  }
0xf9: {  	v4 =	vperm.xlane v3, v0;
	_ =	sdelay $0x1  }
0xfa: {  	v3 =	vperm.xlane v3, v2;
	v4 =	vadd.s32 v1, v4;
	_ =	sdelay $0x1  }
0xfb: {  	v3 =	vadd.s32 v1, v3;
	_ =	sdelay $0x1  }
0xfc: {  	s0 =	simm.s32 $0x14500  }
0xfd: {  	[tilespmem:s0], [sflag:$0x3] =	stream.indirect_vreg.gather [hbm4b:s4+s2], $0x80, v4, vm0, $0xb8;
	[tilespmem:$0x1E500] =	vst v63  }
0xfe: {  	_ = 	snop  }
0xff: {  	[tilespmem:s7], [sflag:$0x3] =	stream.indirect_vreg.gather [hbm4b:s4+s2], $0x80, v3, vm0, $0xb8;
	[tilespmem:$0x1E500] =	vst v63  }
0x100: {  	v3 =	vld [tilespmem:$0x150];
	_ =	sdelay $0x4  }
0x101: {  	v61 =	vshll.u32 v3, $0x1  }
0x102: {  	v3 =	vand.u32 $0x7, v3;
	v4 =	vand.u32 $0xFFFFFFF0, v61  }
0x103: {  	v3 =	vor.u32 v3, v4  }
0x104: {  	v4 =	vperm.xlane v3, v0;
	_ =	sdelay $0x1  }
0x105: {  	v3 =	vperm.xlane v3, v2;
	v4 =	vadd.s32 v1, v4;
	_ =	sdelay $0x1  }
0x106: {  	v3 =	vadd.s32 v1, v3;
	_ =	sdelay $0x2  }
0x107: {  	[tilespmem:s21], [sflag:$0x3] =	stream.indirect_vreg.gather [hbm4b:s4+s2], $0x80, v4, vm0, $0xb8;
	[tilespmem:$0x1E500] =	vst v63  }
0x108: {  	s1 =	simm.s32 $0x15D00  }
0x109: {  	[tilespmem:s1], [sflag:$0x3] =	stream.indirect_vreg.gather [hbm4b:s4+s2], $0x80, v3, vm0, $0xb8;
	[tilespmem:$0x1E500] =	vst v63  }
0x10a: {  	v3 =	vld [tilespmem:$0x160];
	_ =	sdelay $0x4  }
0x10b: {  	v62 =	vshll.u32 v3, $0x1  }
0x10c: {  	v3 =	vand.u32 $0x7, v3;
	v4 =	vand.u32 $0xFFFFFFF0, v62  }
0x10d: {  	v3 =	vor.u32 v3, v4  }
0x10e: {  	v4 =	vperm.xlane v3, v0;
	_ =	sdelay $0x1  }
0x10f: {  	v3 =	vperm.xlane v3, v2;
	v4 =	vadd.s32 v1, v4;
	_ =	sdelay $0x1  }
0x110: {  	v3 =	vadd.s32 v1, v3;
	_ =	sdelay $0x2  }
0x111: {  	[tilespmem:s3], [sflag:$0x3] =	stream.indirect_vreg.gather [hbm4b:s4+s2], $0x80, v4, vm0, $0xb8;
	[tilespmem:$0x1E500] =	vst v63  }
0x112: {  	_ = 	snop  }
0x113: {  	[tilespmem:s8], [sflag:$0x3] =	stream.indirect_vreg.gather [hbm4b:s4+s2], $0x80, v3, vm0, $0xb8;
	[tilespmem:$0x1E500] =	vst v63  }
0x114: {  	v3 =	vld [tilespmem:$0x170];
	_ =	sdelay $0x4  }
0x115: {  	v63 =	vshll.u32 v3, $0x1  }
0x116: {  	v3 =	vand.u32 $0x7, v3;
	v4 =	vand.u32 $0xFFFFFFF0, v63  }
0x117: {  	v3 =	vor.u32 v3, v4  }
0x118: {  	v4 =	vperm.xlane v3, v0;
	_ =	sdelay $0x1  }
0x119: {  	v3 =	vperm.xlane v3, v2;
	v4 =	vadd.s32 v1, v4;
	_ =	sdelay $0x1  }
0x11a: {  	v3 =	vadd.s32 v1, v3;
	_ =	sdelay $0x2  }
0x11b: {  	[tilespmem:s9], [sflag:$0x3] =	stream.indirect_vreg.gather [hbm4b:s4+s2], $0x80, v4, vm0, $0xb8;
	[tilespmem:$0x1E500] =	vst v63  }
0x11c: {  	_ = 	snop  }
0x11d: {  	[tilespmem:s10], [sflag:$0x3] =	stream.indirect_vreg.gather [hbm4b:s4+s2], $0x80, v3, vm0, $0xb8;
	[tilespmem:$0x1E500] =	vst v63  }
0x11e: {  	v3 =	vld [tilespmem:$0x180];
	_ =	sdelay $0x4  }
0x11f: {  	v8 =	vshll.u32 v3, $0x1  }
0x120: {  	v3 =	vand.u32 $0x7, v3;
	v4 =	vand.u32 $0xFFFFFFF0, v8  }
0x121: {  	v3 =	vor.u32 v3, v4  }
0x122: {  	v4 =	vperm.xlane v3, v0;
	_ =	sdelay $0x1  }
0x123: {  	v3 =	vperm.xlane v3, v2;
	v4 =	vadd.s32 v1, v4;
	_ =	sdelay $0x1  }
0x124: {  	v3 =	vadd.s32 v1, v3;
	_ =	sdelay $0x2  }
0x125: {  	[tilespmem:s11], [sflag:$0x3] =	stream.indirect_vreg.gather [hbm4b:s4+s2], $0x80, v4, vm0, $0xb8;
	[tilespmem:$0x1E500] =	vst v63  }
0x126: {  	_ = 	snop  }
0x127: {  	[tilespmem:s12], [sflag:$0x3] =	stream.indirect_vreg.gather [hbm4b:s4+s2], $0x80, v3, vm0, $0xb8;
	[tilespmem:$0x1E500] =	vst v63  }
0x128: {  	v3 =	vld [tilespmem:$0x190];
	_ =	sdelay $0x4  }
0x129: {  	v9 =	vshll.u32 v3, $0x1  }
0x12a: {  	v3 =	vand.u32 $0x7, v3;
	v4 =	vand.u32 $0xFFFFFFF0, v9  }
0x12b: {  	v3 =	vor.u32 v3, v4  }
0x12c: {  	v4 =	vperm.xlane v3, v0;
	_ =	sdelay $0x1  }
0x12d: {  	v3 =	vperm.xlane v3, v2;
	v4 =	vadd.s32 v1, v4;
	_ =	sdelay $0x1  }
0x12e: {  	v3 =	vadd.s32 v1, v3;
	_ =	sdelay $0x2  }
0x12f: {  	[tilespmem:s13], [sflag:$0x3] =	stream.indirect_vreg.gather [hbm4b:s4+s2], $0x80, v4, vm0, $0xb8;
	[tilespmem:$0x1E500] =	vst v63  }
0x130: {  	_ = 	snop  }
0x131: {  	[tilespmem:s14], [sflag:$0x3] =	stream.indirect_vreg.gather [hbm4b:s4+s2], $0x80, v3, vm0, $0xb8;
	[tilespmem:$0x1E500] =	vst v63  }
0x132: {  	v3 =	vld [tilespmem:$0x1A0];
	_ =	sdelay $0x4  }
0x133: {  	v10 =	vshll.u32 v3, $0x1  }
0x134: {  	v3 =	vand.u32 $0x7, v3;
	v4 =	vand.u32 $0xFFFFFFF0, v10  }
0x135: {  	v3 =	vor.u32 v3, v4  }
0x136: {  	v4 =	vperm.xlane v3, v0;
	_ =	sdelay $0x1  }
0x137: {  	v3 =	vperm.xlane v3, v2;
	v4 =	vadd.s32 v1, v4;
	_ =	sdelay $0x1  }
0x138: {  	v3 =	vadd.s32 v1, v3;
	_ =	sdelay $0x2  }
0x139: {  	[tilespmem:s15], [sflag:$0x3] =	stream.indirect_vreg.gather [hbm4b:s4+s2], $0x80, v4, vm0, $0xb8;
	[tilespmem:$0x1E500] =	vst v63  }
0x13a: {  	_ = 	snop  }
0x13b: {  	[tilespmem:s16], [sflag:$0x3] =	stream.indirect_vreg.gather [hbm4b:s4+s2], $0x80, v3, vm0, $0xb8;
	[tilespmem:$0x1E500] =	vst v63  }
0x13c: {  	v3 =	vld [tilespmem:$0x1B0];
	_ =	sdelay $0x4  }
0x13d: {  	v11 =	vshll.u32 v3, $0x1  }
0x13e: {  	v3 =	vand.u32 $0x7, v3;
	v4 =	vand.u32 $0xFFFFFFF0, v11  }
0x13f: {  	v3 =	vor.u32 v3, v4  }
0x140: {  	v4 =	vperm.xlane v3, v0;
	_ =	sdelay $0x1  }
0x141: {  	v3 =	vperm.xlane v3, v2;
	v4 =	vadd.s32 v1, v4;
	_ =	sdelay $0x1  }
0x142: {  	v3 =	vadd.s32 v1, v3;
	_ =	sdelay $0x2  }
0x143: {  	[tilespmem:s17], [sflag:$0x3] =	stream.indirect_vreg.gather [hbm4b:s4+s2], $0x80, v4, vm0, $0xb8;
	[tilespmem:$0x1E500] =	vst v63  }
0x144: {  	_ = 	snop  }
0x145: {  	[tilespmem:s18], [sflag:$0x3] =	stream.indirect_vreg.gather [hbm4b:s4+s2], $0x80, v3, vm0, $0xb8;
	[tilespmem:$0x1E500] =	vst v63  }
0x146: {  	v3 =	vld [tilespmem:$0x1C0];
	_ =	sdelay $0x4  }
0x147: {  	v12 =	vshll.u32 v3, $0x1  }
0x148: {  	v3 =	vand.u32 $0x7, v3;
	v4 =	vand.u32 $0xFFFFFFF0, v12  }
0x149: {  	v3 =	vor.u32 v3, v4  }
0x14a: {  	v4 =	vperm.xlane v3, v0;
	_ =	sdelay $0x1  }
0x14b: {  	v3 =	vperm.xlane v3, v2;
	v4 =	vadd.s32 v1, v4;
	_ =	sdelay $0x1  }
0x14c: {  	v3 =	vadd.s32 v1, v3;
	_ =	sdelay $0x2  }
0x14d: {  	[tilespmem:s19], [sflag:$0x3] =	stream.indirect_vreg.gather [hbm4b:s4+s2], $0x80, v4, vm0, $0xb8;
	[tilespmem:$0x1E500] =	vst v63  }
0x14e: {  	_ = 	snop  }
0x14f: {  	[tilespmem:s20], [sflag:$0x3] =	stream.indirect_vreg.gather [hbm4b:s4+s2], $0x80, v3, vm0, $0xb8;
	[tilespmem:$0x1E500] =	vst v63  }
0x150: {  	v3 =	vld [tilespmem:$0x1D0];
	_ =	sdelay $0x4  }
0x151: {  	v13 =	vshll.u32 v3, $0x1  }
0x152: {  	v3 =	vand.u32 $0x7, v3;
	v4 =	vand.u32 $0xFFFFFFF0, v13  }
0x153: {  	v3 =	vor.u32 v3, v4  }
0x154: {  	v4 =	vperm.xlane v3, v0;
	_ =	sdelay $0x1  }
0x155: {  	v3 =	vperm.xlane v3, v2;
	v4 =	vadd.s32 v1, v4;
	_ =	sdelay $0x1  }
0x156: {  	v3 =	vadd.s32 v1, v3;
	_ =	sdelay $0x2  }
0x157: {  	[tilespmem:s26], [sflag:$0x3] =	stream.indirect_vreg.gather [hbm4b:s4+s2], $0x80, v4, vm0, $0xb8;
	[tilespmem:$0x1E500] =	vst v63  }
0x158: {  	_ = 	snop  }
0x159: {  	[tilespmem:s29], [sflag:$0x3] =	stream.indirect_vreg.gather [hbm4b:s4+s2], $0x80, v3, vm0, $0xb8;
	[tilespmem:$0x1E500] =	vst v63  }
0x15a: {  	_ =	swait.ge [sflag:s22], $0xA000  }
0x15b: {  	[sflag:s22] =	ssyncset.done $0x0  }
0x15c: {  	s25 =	rddreg [dreg:$0xa];
	[sflag:s22] =	ssyncadd.s32 $0xFFFF6000  }
0x15d: {  	[hbm4b:s25+s2] =	stream.linear.scatter [tilespmem:s30], [sflag:$0x4], $0xA000, $0x38;
	[tilespmem:$0x1E500] =	vst v63  }
0x15e: {  	_ =	swait.ge [sflag:s6], $0xA000  }
0x15f: {  	[sflag:s6] =	ssyncset.done $0x0  }
0x160: {  	[sflag:s6] =	ssyncadd.s32 $0xFFFF6000  }
0x161: {  	v3 =	vld [tilespmem:$0x1E0];
	_ =	sdelay $0x4  }
0x162: {  	v14 =	vshll.u32 v3, $0x1  }
0x163: {  	v3 =	vand.u32 $0x7, v3;
	v4 =	vand.u32 $0xFFFFFFF0, v14  }
0x164: {  	v3 =	vor.u32 v3, v4  }
0x165: {  	v4 =	vperm.xlane v3, v0;
	_ =	sdelay $0x1  }
0x166: {  	v3 =	vperm.xlane v3, v2;
	v4 =	vadd.s32 v1, v4;
	_ =	sdelay $0x1  }
0x167: {  	v3 =	vadd.s32 v1, v3;
	_ =	sdelay $0x2  }
0x168: {  	[tilespmem:s30], [sflag:$0x1] =	stream.indirect_vreg.gather [hbm4b:s4+s2], $0x80, v4, vm0, $0xb8;
	[tilespmem:$0x1E500] =	vst v63  }
0x169: {  	s25 =	simm.s32 $0xD00  }
0x16a: {  	[tilespmem:s25], [sflag:$0x1] =	stream.indirect_vreg.gather [hbm4b:s4+s2], $0x80, v3, vm0, $0xb8;
	[tilespmem:$0x1E500] =	vst v63  }
0x16b: {  	v3 =	vld [tilespmem:$0x1F0];
	_ =	sdelay $0x4  }
0x16c: {  	v15 =	vshll.u32 v3, $0x1  }
0x16d: {  	v3 =	vand.u32 $0x7, v3;
	v4 =	vand.u32 $0xFFFFFFF0, v15  }
0x16e: {  	v3 =	vor.u32 v3, v4  }
0x16f: {  	v4 =	vperm.xlane v3, v0;
	_ =	sdelay $0x1  }
0x170: {  	v3 =	vperm.xlane v3, v2;
	v4 =	vadd.s32 v1, v4;
	_ =	sdelay $0x1  }
0x171: {  	v3 =	vadd.s32 v1, v3;
	_ =	sdelay $0x1  }
0x172: {  	s25 =	simm.s32 $0x1500  }
0x173: {  	[tilespmem:s25], [sflag:$0x1] =	stream.indirect_vreg.gather [hbm4b:s4+s2], $0x80, v4, vm0, $0xb8;
	[tilespmem:$0x1E500] =	vst v63  }
0x174: {  	s25 =	simm.s32 $0x1D00  }
0x175: {  	[tilespmem:s25], [sflag:$0x1] =	stream.indirect_vreg.gather [hbm4b:s4+s2], $0x80, v3, vm0, $0xb8;
	[tilespmem:$0x1E500] =	vst v63  }
0x176: {  	v3 =	vld [tilespmem:$0x200];
	_ =	sdelay $0x4  }
0x177: {  	v16 =	vshll.u32 v3, $0x1  }
0x178: {  	v3 =	vand.u32 $0x7, v3;
	v4 =	vand.u32 $0xFFFFFFF0, v16  }
0x179: {  	v3 =	vor.u32 v3, v4  }
0x17a: {  	v4 =	vperm.xlane v3, v0;
	_ =	sdelay $0x1  }
0x17b: {  	v3 =	vperm.xlane v3, v2;
	v4 =	vadd.s32 v1, v4;
	_ =	sdelay $0x1  }
0x17c: {  	v3 =	vadd.s32 v1, v3;
	_ =	sdelay $0x2  }
0x17d: {  	[tilespmem:s31], [sflag:$0x1] =	stream.indirect_vreg.gather [hbm4b:s4+s2], $0x80, v4, vm0, $0xb8;
	[tilespmem:$0x1E500] =	vst v63  }
0x17e: {  	s25 =	simm.s32 $0x2D00  }
0x17f: {  	[tilespmem:s25], [sflag:$0x1] =	stream.indirect_vreg.gather [hbm4b:s4+s2], $0x80, v3, vm0, $0xb8;
	[tilespmem:$0x1E500] =	vst v63  }
0x180: {  	v3 =	vld [tilespmem:$0x210];
	_ =	sdelay $0x4  }
0x181: {  	v17 =	vshll.u32 v3, $0x1  }
0x182: {  	v3 =	vand.u32 $0x7, v3;
	v4 =	vand.u32 $0xFFFFFFF0, v17  }
0x183: {  	v3 =	vor.u32 v3, v4  }
0x184: {  	v4 =	vperm.xlane v3, v0;
	_ =	sdelay $0x1  }
0x185: {  	v3 =	vperm.xlane v3, v2;
	v4 =	vadd.s32 v1, v4;
	_ =	sdelay $0x1  }
0x186: {  	v3 =	vadd.s32 v1, v3;
	_ =	sdelay $0x1  }
0x187: {  	s25 =	simm.s32 $0x3500  }
0x188: {  	[tilespmem:s25], [sflag:$0x1] =	stream.indirect_vreg.gather [hbm4b:s4+s2], $0x80, v4, vm0, $0xb8;
	[tilespmem:$0x1E500] =	vst v63  }
0x189: {  	s25 =	simm.s32 $0x3D00  }
0x18a: {  	[tilespmem:s25], [sflag:$0x1] =	stream.indirect_vreg.gather [hbm4b:s4+s2], $0x80, v3, vm0, $0xb8;
	[tilespmem:$0x1E500] =	vst v63  }
0x18b: {  	v3 =	vld [tilespmem:$0x220];
	_ =	sdelay $0x4  }
0x18c: {  	v18 =	vshll.u32 v3, $0x1  }
0x18d: {  	v3 =	vand.u32 $0x7, v3;
	v4 =	vand.u32 $0xFFFFFFF0, v18  }
0x18e: {  	v3 =	vor.u32 v3, v4  }
0x18f: {  	v4 =	vperm.xlane v3, v0;
	_ =	sdelay $0x1  }
0x190: {  	v3 =	vperm.xlane v3, v2;
	v4 =	vadd.s32 v1, v4;
	_ =	sdelay $0x1  }
0x191: {  	v3 =	vadd.s32 v1, v3;
	_ =	sdelay $0x1  }
0x192: {  	s25 =	simm.s32 $0x4500  }
0x193: {  	[tilespmem:s25], [sflag:$0x1] =	stream.indirect_vreg.gather [hbm4b:s4+s2], $0x80, v4, vm0, $0xb8;
	[tilespmem:$0x1E500] =	vst v63  }
0x194: {  	s25 =	simm.s32 $0x4D00  }
0x195: {  	[tilespmem:s25], [sflag:$0x1] =	stream.indirect_vreg.gather [hbm4b:s4+s2], $0x80, v3, vm0, $0xb8;
	[tilespmem:$0x1E500] =	vst v63  }
0x196: {  	v3 =	vld [tilespmem:$0x230];
	_ =	sdelay $0x4  }
0x197: {  	v19 =	vshll.u32 v3, $0x1  }
0x198: {  	v3 =	vand.u32 $0x7, v3;
	v4 =	vand.u32 $0xFFFFFFF0, v19  }
0x199: {  	v3 =	vor.u32 v3, v4  }
0x19a: {  	v4 =	vperm.xlane v3, v0;
	_ =	sdelay $0x1  }
0x19b: {  	v3 =	vperm.xlane v3, v2;
	v4 =	vadd.s32 v1, v4;
	_ =	sdelay $0x1  }
0x19c: {  	v3 =	vadd.s32 v1, v3;
	_ =	sdelay $0x1  }
0x19d: {  	s25 =	simm.s32 $0x5500  }
0x19e: {  	[tilespmem:s25], [sflag:$0x1] =	stream.indirect_vreg.gather [hbm4b:s4+s2], $0x80, v4, vm0, $0xb8;
	[tilespmem:$0x1E500] =	vst v63  }
0x19f: {  	s25 =	simm.s32 $0x5D00  }
0x1a0: {  	[tilespmem:s25], [sflag:$0x1] =	stream.indirect_vreg.gather [hbm4b:s4+s2], $0x80, v3, vm0, $0xb8;
	[tilespmem:$0x1E500] =	vst v63  }
0x1a1: {  	v3 =	vld [tilespmem:$0x240];
	_ =	sdelay $0x4  }
0x1a2: {  	v20 =	vshll.u32 v3, $0x1  }
0x1a3: {  	v3 =	vand.u32 $0x7, v3;
	v4 =	vand.u32 $0xFFFFFFF0, v20  }
0x1a4: {  	v3 =	vor.u32 v3, v4  }
0x1a5: {  	v4 =	vperm.xlane v3, v0;
	_ =	sdelay $0x1  }
0x1a6: {  	v3 =	vperm.xlane v3, v2;
	v4 =	vadd.s32 v1, v4;
	_ =	sdelay $0x1  }
0x1a7: {  	v3 =	vadd.s32 v1, v3;
	_ =	sdelay $0x1  }
0x1a8: {  	s25 =	simm.s32 $0x6500  }
0x1a9: {  	[tilespmem:s25], [sflag:$0x1] =	stream.indirect_vreg.gather [hbm4b:s4+s2], $0x80, v4, vm0, $0xb8;
	[tilespmem:$0x1E500] =	vst v63  }
0x1aa: {  	s25 =	simm.s32 $0x6D00  }
0x1ab: {  	[tilespmem:s25], [sflag:$0x1] =	stream.indirect_vreg.gather [hbm4b:s4+s2], $0x80, v3, vm0, $0xb8;
	[tilespmem:$0x1E500] =	vst v63  }
0x1ac: {  	v3 =	vld [tilespmem:$0x250];
	_ =	sdelay $0x4  }
0x1ad: {  	v21 =	vshll.u32 v3, $0x1  }
0x1ae: {  	v3 =	vand.u32 $0x7, v3;
	v4 =	vand.u32 $0xFFFFFFF0, v21  }
0x1af: {  	v3 =	vor.u32 v3, v4  }
0x1b0: {  	v4 =	vperm.xlane v3, v0;
	_ =	sdelay $0x1  }
0x1b1: {  	v3 =	vperm.xlane v3, v2;
	v4 =	vadd.s32 v1, v4;
	_ =	sdelay $0x1  }
0x1b2: {  	v3 =	vadd.s32 v1, v3;
	_ =	sdelay $0x1  }
0x1b3: {  	s25 =	simm.s32 $0x7500  }
0x1b4: {  	[tilespmem:s25], [sflag:$0x1] =	stream.indirect_vreg.gather [hbm4b:s4+s2], $0x80, v4, vm0, $0xb8;
	[tilespmem:$0x1E500] =	vst v63  }
0x1b5: {  	s25 =	simm.s32 $0x7D00  }
0x1b6: {  	[tilespmem:s25], [sflag:$0x1] =	stream.indirect_vreg.gather [hbm4b:s4+s2], $0x80, v3, vm0, $0xb8;
	[tilespmem:$0x1E500] =	vst v63  }
0x1b7: {  	v3 =	vld [tilespmem:$0x260];
	_ =	sdelay $0x4  }
0x1b8: {  	v22 =	vshll.u32 v3, $0x1  }
0x1b9: {  	v3 =	vand.u32 $0x7, v3;
	v4 =	vand.u32 $0xFFFFFFF0, v22  }
0x1ba: {  	v3 =	vor.u32 v3, v4  }
0x1bb: {  	v4 =	vperm.xlane v3, v0;
	_ =	sdelay $0x1  }
0x1bc: {  	v3 =	vperm.xlane v3, v2;
	v4 =	vadd.s32 v1, v4;
	_ =	sdelay $0x1  }
0x1bd: {  	v3 =	vadd.s32 v1, v3;
	_ =	sdelay $0x1  }
0x1be: {  	s25 =	simm.s32 $0x8500  }
0x1bf: {  	[tilespmem:s25], [sflag:$0x1] =	stream.indirect_vreg.gather [hbm4b:s4+s2], $0x80, v4, vm0, $0xb8;
	[tilespmem:$0x1E500] =	vst v63  }
0x1c0: {  	s25 =	simm.s32 $0x8D00  }
0x1c1: {  	[tilespmem:s25], [sflag:$0x1] =	stream.indirect_vreg.gather [hbm4b:s4+s2], $0x80, v3, vm0, $0xb8;
	[tilespmem:$0x1E500] =	vst v63  }
0x1c2: {  	v3 =	vld [tilespmem:$0x270];
	_ =	sdelay $0x4  }
0x1c3: {  	v23 =	vshll.u32 v3, $0x1  }
0x1c4: {  	v3 =	vand.u32 $0x7, v3;
	v4 =	vand.u32 $0xFFFFFFF0, v23  }
0x1c5: {  	v3 =	vor.u32 v3, v4  }
0x1c6: {  	v4 =	vperm.xlane v3, v0;
	_ =	sdelay $0x1  }
0x1c7: {  	v3 =	vperm.xlane v3, v2;
	v4 =	vadd.s32 v1, v4;
	_ =	sdelay $0x1  }
0x1c8: {  	v3 =	vadd.s32 v1, v3;
	_ =	sdelay $0x1  }
0x1c9: {  	s25 =	simm.s32 $0x9500  }
0x1ca: {  	[tilespmem:s25], [sflag:$0x1] =	stream.indirect_vreg.gather [hbm4b:s4+s2], $0x80, v4, vm0, $0xb8;
	[tilespmem:$0x1E500] =	vst v63  }
0x1cb: {  	s25 =	simm.s32 $0x9D00  }
0x1cc: {  	[tilespmem:s25], [sflag:$0x1] =	stream.indirect_vreg.gather [hbm4b:s4+s2], $0x80, v3, vm0, $0xb8;
	[tilespmem:$0x1E500] =	vst v63  }
0x1cd: {  	_ =	swait.ge [sflag:s23], $0xA000  }
0x1ce: {  	[sflag:s23] =	ssyncset.done $0x0  }
0x1cf: {  	s25 =	rddreg [dreg:$0x3];
	[sflag:s23] =	ssyncadd.s32 $0xFFFF6000  }
0x1d0: {  	[hbm4b:s25+s2] =	stream.linear.scatter [tilespmem:s28], [sflag:$0x4], $0xA000, $0x38;
	[tilespmem:$0x1E500] =	vst v63  }
0x1d1: {  	_ =	swait.ge [sflag:s6], $0xA000  }
0x1d2: {  	[sflag:s6] =	ssyncset.done $0x0  }
0x1d3: {  	[sflag:s6] =	ssyncadd.s32 $0xFFFF6000  }
0x1d4: {  	v3 =	vld [tilespmem:$0x280];
	_ =	sdelay $0x4  }
0x1d5: {  	v24 =	vshll.u32 v3, $0x1  }
0x1d6: {  	v3 =	vand.u32 $0x7, v3;
	v4 =	vand.u32 $0xFFFFFFF0, v24  }
0x1d7: {  	v3 =	vor.u32 v3, v4  }
0x1d8: {  	v4 =	vperm.xlane v3, v0;
	_ =	sdelay $0x1  }
0x1d9: {  	v3 =	vperm.xlane v3, v2;
	v4 =	vadd.s32 v1, v4;
	_ =	sdelay $0x1  }
0x1da: {  	v3 =	vadd.s32 v1, v3;
	_ =	sdelay $0x2  }
0x1db: {  	[tilespmem:s28], [sflag:$0x2] =	stream.indirect_vreg.gather [hbm4b:s4+s2], $0x80, v4, vm0, $0xb8;
	[tilespmem:$0x1E500] =	vst v63  }
0x1dc: {  	s25 =	simm.s32 $0xAD00  }
0x1dd: {  	[tilespmem:s25], [sflag:$0x2] =	stream.indirect_vreg.gather [hbm4b:s4+s2], $0x80, v3, vm0, $0xb8;
	[tilespmem:$0x1E500] =	vst v63  }
0x1de: {  	v3 =	vld [tilespmem:$0x290];
	_ =	sdelay $0x4  }
0x1df: {  	v25 =	vshll.u32 v3, $0x1  }
0x1e0: {  	v3 =	vand.u32 $0x7, v3;
	v4 =	vand.u32 $0xFFFFFFF0, v25  }
0x1e1: {  	v3 =	vor.u32 v3, v4  }
0x1e2: {  	v4 =	vperm.xlane v3, v0;
	_ =	sdelay $0x1  }
0x1e3: {  	v3 =	vperm.xlane v3, v2;
	v4 =	vadd.s32 v1, v4;
	_ =	sdelay $0x1  }
0x1e4: {  	v3 =	vadd.s32 v1, v3;
	_ =	sdelay $0x1  }
0x1e5: {  	s25 =	simm.s32 $0xB500  }
0x1e6: {  	[tilespmem:s25], [sflag:$0x2] =	stream.indirect_vreg.gather [hbm4b:s4+s2], $0x80, v4, vm0, $0xb8;
	[tilespmem:$0x1E500] =	vst v63  }
0x1e7: {  	s25 =	simm.s32 $0xBD00  }
0x1e8: {  	[tilespmem:s25], [sflag:$0x2] =	stream.indirect_vreg.gather [hbm4b:s4+s2], $0x80, v3, vm0, $0xb8;
	[tilespmem:$0x1E500] =	vst v63  }
0x1e9: {  	v3 =	vld [tilespmem:$0x2A0];
	_ =	sdelay $0x4  }
0x1ea: {  	v26 =	vshll.u32 v3, $0x1  }
0x1eb: {  	v3 =	vand.u32 $0x7, v3;
	v4 =	vand.u32 $0xFFFFFFF0, v26  }
0x1ec: {  	v3 =	vor.u32 v3, v4  }
0x1ed: {  	v4 =	vperm.xlane v3, v0;
	_ =	sdelay $0x1  }
0x1ee: {  	v3 =	vperm.xlane v3, v2;
	v4 =	vadd.s32 v1, v4;
	_ =	sdelay $0x1  }
0x1ef: {  	v3 =	vadd.s32 v1, v3;
	_ =	sdelay $0x1  }
0x1f0: {  	s25 =	simm.s32 $0xC500  }
0x1f1: {  	[tilespmem:s25], [sflag:$0x2] =	stream.indirect_vreg.gather [hbm4b:s4+s2], $0x80, v4, vm0, $0xb8;
	[tilespmem:$0x1E500] =	vst v63  }
0x1f2: {  	s25 =	simm.s32 $0xCD00  }
0x1f3: {  	[tilespmem:s25], [sflag:$0x2] =	stream.indirect_vreg.gather [hbm4b:s4+s2], $0x80, v3, vm0, $0xb8;
	[tilespmem:$0x1E500] =	vst v63  }
0x1f4: {  	v3 =	vld [tilespmem:$0x2B0];
	_ =	sdelay $0x4  }
0x1f5: {  	v27 =	vshll.u32 v3, $0x1  }
0x1f6: {  	v3 =	vand.u32 $0x7, v3;
	v4 =	vand.u32 $0xFFFFFFF0, v27  }
0x1f7: {  	v3 =	vor.u32 v3, v4  }
0x1f8: {  	v4 =	vperm.xlane v3, v0;
	_ =	sdelay $0x1  }
0x1f9: {  	v3 =	vperm.xlane v3, v2;
	v4 =	vadd.s32 v1, v4;
	_ =	sdelay $0x1  }
0x1fa: {  	v3 =	vadd.s32 v1, v3;
	_ =	sdelay $0x1  }
0x1fb: {  	s25 =	simm.s32 $0xD500  }
0x1fc: {  	[tilespmem:s25], [sflag:$0x2] =	stream.indirect_vreg.gather [hbm4b:s4+s2], $0x80, v4, vm0, $0xb8;
	[tilespmem:$0x1E500] =	vst v63  }
0x1fd: {  	s25 =	simm.s32 $0xDD00  }
0x1fe: {  	[tilespmem:s25], [sflag:$0x2] =	stream.indirect_vreg.gather [hbm4b:s4+s2], $0x80, v3, vm0, $0xb8;
	[tilespmem:$0x1E500] =	vst v63  }
0x1ff: {  	v3 =	vld [tilespmem:$0x2C0];
	_ =	sdelay $0x4  }
0x200: {  	v28 =	vshll.u32 v3, $0x1  }
0x201: {  	v3 =	vand.u32 $0x7, v3;
	v4 =	vand.u32 $0xFFFFFFF0, v28  }
0x202: {  	v3 =	vor.u32 v3, v4  }
0x203: {  	v4 =	vperm.xlane v3, v0;
	_ =	sdelay $0x1  }
0x204: {  	v3 =	vperm.xlane v3, v2;
	v4 =	vadd.s32 v1, v4;
	_ =	sdelay $0x1  }
0x205: {  	v3 =	vadd.s32 v1, v3;
	_ =	sdelay $0x1  }
0x206: {  	s25 =	simm.s32 $0xE500  }
0x207: {  	[tilespmem:s25], [sflag:$0x2] =	stream.indirect_vreg.gather [hbm4b:s4+s2], $0x80, v4, vm0, $0xb8;
	[tilespmem:$0x1E500] =	vst v63  }
0x208: {  	s25 =	simm.s32 $0xED00  }
0x209: {  	[tilespmem:s25], [sflag:$0x2] =	stream.indirect_vreg.gather [hbm4b:s4+s2], $0x80, v3, vm0, $0xb8;
	[tilespmem:$0x1E500] =	vst v63  }
0x20a: {  	v3 =	vld [tilespmem:$0x2D0];
	_ =	sdelay $0x4  }
0x20b: {  	v29 =	vshll.u32 v3, $0x1  }
0x20c: {  	v3 =	vand.u32 $0x7, v3;
	v4 =	vand.u32 $0xFFFFFFF0, v29  }
0x20d: {  	v3 =	vor.u32 v3, v4  }
0x20e: {  	v4 =	vperm.xlane v3, v0;
	_ =	sdelay $0x1  }
0x20f: {  	v3 =	vperm.xlane v3, v2;
	v4 =	vadd.s32 v1, v4;
	_ =	sdelay $0x1  }
0x210: {  	v3 =	vadd.s32 v1, v3;
	_ =	sdelay $0x1  }
0x211: {  	s25 =	simm.s32 $0xF500  }
0x212: {  	[tilespmem:s25], [sflag:$0x2] =	stream.indirect_vreg.gather [hbm4b:s4+s2], $0x80, v4, vm0, $0xb8;
	[tilespmem:$0x1E500] =	vst v63  }
0x213: {  	s25 =	simm.s32 $0xFD00  }
0x214: {  	[tilespmem:s25], [sflag:$0x2] =	stream.indirect_vreg.gather [hbm4b:s4+s2], $0x80, v3, vm0, $0xb8;
	[tilespmem:$0x1E500] =	vst v63  }
0x215: {  	v3 =	vld [tilespmem:$0x2E0];
	_ =	sdelay $0x4  }
0x216: {  	v30 =	vshll.u32 v3, $0x1  }
0x217: {  	v3 =	vand.u32 $0x7, v3;
	v4 =	vand.u32 $0xFFFFFFF0, v30  }
0x218: {  	v3 =	vor.u32 v3, v4  }
0x219: {  	v4 =	vperm.xlane v3, v0;
	_ =	sdelay $0x1  }
0x21a: {  	v3 =	vperm.xlane v3, v2;
	v4 =	vadd.s32 v1, v4;
	_ =	sdelay $0x1  }
0x21b: {  	v3 =	vadd.s32 v1, v3;
	_ =	sdelay $0x1  }
0x21c: {  	s25 =	simm.s32 $0x10500  }
0x21d: {  	[tilespmem:s25], [sflag:$0x2] =	stream.indirect_vreg.gather [hbm4b:s4+s2], $0x80, v4, vm0, $0xb8;
	[tilespmem:$0x1E500] =	vst v63  }
0x21e: {  	s25 =	simm.s32 $0x10D00  }
0x21f: {  	[tilespmem:s25], [sflag:$0x2] =	stream.indirect_vreg.gather [hbm4b:s4+s2], $0x80, v3, vm0, $0xb8;
	[tilespmem:$0x1E500] =	vst v63  }
0x220: {  	v3 =	vld [tilespmem:$0x2F0];
	_ =	sdelay $0x4  }
0x221: {  	v31 =	vshll.u32 v3, $0x1  }
0x222: {  	v3 =	vand.u32 $0x7, v3;
	v4 =	vand.u32 $0xFFFFFFF0, v31  }
0x223: {  	v3 =	vor.u32 v3, v4  }
0x224: {  	v4 =	vperm.xlane v3, v0;
	_ =	sdelay $0x1  }
0x225: {  	v3 =	vperm.xlane v3, v2;
	v4 =	vadd.s32 v1, v4;
	_ =	sdelay $0x1  }
0x226: {  	v3 =	vadd.s32 v1, v3;
	_ =	sdelay $0x1  }
0x227: {  	s25 =	simm.s32 $0x11500  }
0x228: {  	[tilespmem:s25], [sflag:$0x2] =	stream.indirect_vreg.gather [hbm4b:s4+s2], $0x80, v4, vm0, $0xb8;
	[tilespmem:$0x1E500] =	vst v63  }
0x229: {  	s25 =	simm.s32 $0x11D00  }
0x22a: {  	[tilespmem:s25], [sflag:$0x2] =	stream.indirect_vreg.gather [hbm4b:s4+s2], $0x80, v3, vm0, $0xb8;
	[tilespmem:$0x1E500] =	vst v63  }
0x22b: {  	v3 =	vld [tilespmem:$0x300];
	_ =	sdelay $0x4  }
0x22c: {  	v32 =	vshll.u32 v3, $0x1  }
0x22d: {  	v3 =	vand.u32 $0x7, v3;
	v4 =	vand.u32 $0xFFFFFFF0, v32  }
0x22e: {  	v3 =	vor.u32 v3, v4  }
0x22f: {  	v4 =	vperm.xlane v3, v0;
	_ =	sdelay $0x1  }
0x230: {  	v3 =	vperm.xlane v3, v2;
	v4 =	vadd.s32 v1, v4;
	_ =	sdelay $0x1  }
0x231: {  	v3 =	vadd.s32 v1, v3;
	_ =	sdelay $0x1  }
0x232: {  	s25 =	simm.s32 $0x12500  }
0x233: {  	[tilespmem:s25], [sflag:$0x2] =	stream.indirect_vreg.gather [hbm4b:s4+s2], $0x80, v4, vm0, $0xb8;
	[tilespmem:$0x1E500] =	vst v63  }
0x234: {  	s25 =	simm.s32 $0x12D00  }
0x235: {  	[tilespmem:s25], [sflag:$0x2] =	stream.indirect_vreg.gather [hbm4b:s4+s2], $0x80, v3, vm0, $0xb8;
	[tilespmem:$0x1E500] =	vst v63  }
0x236: {  	v3 =	vld [tilespmem:$0x310];
	_ =	sdelay $0x4  }
0x237: {  	v33 =	vshll.u32 v3, $0x1  }
0x238: {  	v3 =	vand.u32 $0x7, v3;
	v4 =	vand.u32 $0xFFFFFFF0, v33  }
0x239: {  	v3 =	vor.u32 v3, v4  }
0x23a: {  	v4 =	vperm.xlane v3, v0;
	_ =	sdelay $0x1  }
0x23b: {  	v3 =	vperm.xlane v3, v2;
	v4 =	vadd.s32 v1, v4;
	_ =	sdelay $0x1  }
0x23c: {  	v3 =	vadd.s32 v1, v3;
	_ =	sdelay $0x1  }
0x23d: {  	s25 =	simm.s32 $0x13500  }
0x23e: {  	[tilespmem:s25], [sflag:$0x2] =	stream.indirect_vreg.gather [hbm4b:s4+s2], $0x80, v4, vm0, $0xb8;
	[tilespmem:$0x1E500] =	vst v63  }
0x23f: {  	s25 =	simm.s32 $0x13D00  }
0x240: {  	[tilespmem:s25], [sflag:$0x2] =	stream.indirect_vreg.gather [hbm4b:s4+s2], $0x80, v3, vm0, $0xb8;
	[tilespmem:$0x1E500] =	vst v63  }
0x241: {  	_ =	swait.ge [sflag:s24], $0xA000  }
0x242: {  	[sflag:s24] =	ssyncset.done $0x0  }
0x243: {  	s25 =	rddreg [dreg:$0x4];
	[sflag:s24] =	ssyncadd.s32 $0xFFFF6000  }
0x244: {  	[hbm4b:s25+s2] =	stream.linear.scatter [tilespmem:s0], [sflag:$0x4], $0xA000, $0x38;
	[tilespmem:$0x1E500] =	vst v63  }
0x245: {  	_ =	swait.ge [sflag:s6], $0xA000  }
0x246: {  	[sflag:s6] =	ssyncset.done $0x0  }
0x247: {  	[sflag:s6] =	ssyncadd.s32 $0xFFFF6000  }
0x248: {  	v3 =	vld [tilespmem:$0x320];
	_ =	sdelay $0x4  }
0x249: {  	v34 =	vshll.u32 v3, $0x1  }
0x24a: {  	v3 =	vand.u32 $0x7, v3;
	v4 =	vand.u32 $0xFFFFFFF0, v34  }
0x24b: {  	v3 =	vor.u32 v3, v4  }
0x24c: {  	v4 =	vperm.xlane v3, v0;
	_ =	sdelay $0x1  }
0x24d: {  	v3 =	vperm.xlane v3, v2;
	v4 =	vadd.s32 v1, v4;
	_ =	sdelay $0x1  }
0x24e: {  	v3 =	vadd.s32 v1, v3;
	_ =	sdelay $0x2  }
0x24f: {  	[tilespmem:s0], [sflag:$0x3] =	stream.indirect_vreg.gather [hbm4b:s4+s2], $0x80, v4, vm0, $0xb8;
	[tilespmem:$0x1E500] =	vst v63  }
0x250: {  	_ = 	snop  }
0x251: {  	[tilespmem:s7], [sflag:$0x3] =	stream.indirect_vreg.gather [hbm4b:s4+s2], $0x80, v3, vm0, $0xb8;
	[tilespmem:$0x1E500] =	vst v63  }
0x252: {  	v3 =	vld [tilespmem:$0x330];
	_ =	sdelay $0x4  }
0x253: {  	v35 =	vshll.u32 v3, $0x1  }
0x254: {  	v3 =	vand.u32 $0x7, v3;
	v4 =	vand.u32 $0xFFFFFFF0, v35  }
0x255: {  	v3 =	vor.u32 v3, v4  }
0x256: {  	v4 =	vperm.xlane v3, v0;
	_ =	sdelay $0x1  }
0x257: {  	v3 =	vperm.xlane v3, v2;
	v4 =	vadd.s32 v1, v4;
	_ =	sdelay $0x1  }
0x258: {  	v3 =	vadd.s32 v1, v3;
	_ =	sdelay $0x2  }
0x259: {  	[tilespmem:s21], [sflag:$0x3] =	stream.indirect_vreg.gather [hbm4b:s4+s2], $0x80, v4, vm0, $0xb8;
	[tilespmem:$0x1E500] =	vst v63  }
0x25a: {  	_ = 	snop  }
0x25b: {  	[tilespmem:s1], [sflag:$0x3] =	stream.indirect_vreg.gather [hbm4b:s4+s2], $0x80, v3, vm0, $0xb8;
	[tilespmem:$0x1E500] =	vst v63  }
0x25c: {  	v3 =	vld [tilespmem:$0x340];
	_ =	sdelay $0x4  }
0x25d: {  	v36 =	vshll.u32 v3, $0x1  }
0x25e: {  	v3 =	vand.u32 $0x7, v3;
	v4 =	vand.u32 $0xFFFFFFF0, v36  }
0x25f: {  	v3 =	vor.u32 v3, v4  }
0x260: {  	v4 =	vperm.xlane v3, v0;
	_ =	sdelay $0x1  }
0x261: {  	v3 =	vperm.xlane v3, v2;
	v4 =	vadd.s32 v1, v4;
	_ =	sdelay $0x1  }
0x262: {  	v3 =	vadd.s32 v1, v3;
	_ =	sdelay $0x2  }
0x263: {  	[tilespmem:s3], [sflag:$0x3] =	stream.indirect_vreg.gather [hbm4b:s4+s2], $0x80, v4, vm0, $0xb8;
	[tilespmem:$0x1E500] =	vst v63  }
0x264: {  	_ = 	snop  }
0x265: {  	[tilespmem:s8], [sflag:$0x3] =	stream.indirect_vreg.gather [hbm4b:s4+s2], $0x80, v3, vm0, $0xb8;
	[tilespmem:$0x1E500] =	vst v63  }
0x266: {  	v3 =	vld [tilespmem:$0x350];
	_ =	sdelay $0x4  }
0x267: {  	v37 =	vshll.u32 v3, $0x1  }
0x268: {  	v3 =	vand.u32 $0x7, v3;
	v4 =	vand.u32 $0xFFFFFFF0, v37  }
0x269: {  	v3 =	vor.u32 v3, v4  }
0x26a: {  	v4 =	vperm.xlane v3, v0;
	_ =	sdelay $0x1  }
0x26b: {  	v3 =	vperm.xlane v3, v2;
	v4 =	vadd.s32 v1, v4;
	_ =	sdelay $0x1  }
0x26c: {  	v3 =	vadd.s32 v1, v3;
	_ =	sdelay $0x2  }
0x26d: {  	[tilespmem:s9], [sflag:$0x3] =	stream.indirect_vreg.gather [hbm4b:s4+s2], $0x80, v4, vm0, $0xb8;
	[tilespmem:$0x1E500] =	vst v63  }
0x26e: {  	_ = 	snop  }
0x26f: {  	[tilespmem:s10], [sflag:$0x3] =	stream.indirect_vreg.gather [hbm4b:s4+s2], $0x80, v3, vm0, $0xb8;
	[tilespmem:$0x1E500] =	vst v63  }
0x270: {  	v3 =	vld [tilespmem:$0x360];
	_ =	sdelay $0x4  }
0x271: {  	v38 =	vshll.u32 v3, $0x1  }
0x272: {  	v3 =	vand.u32 $0x7, v3;
	v4 =	vand.u32 $0xFFFFFFF0, v38  }
0x273: {  	v3 =	vor.u32 v3, v4  }
0x274: {  	v4 =	vperm.xlane v3, v0;
	_ =	sdelay $0x1  }
0x275: {  	v3 =	vperm.xlane v3, v2;
	v4 =	vadd.s32 v1, v4;
	_ =	sdelay $0x1  }
0x276: {  	v3 =	vadd.s32 v1, v3;
	_ =	sdelay $0x2  }
0x277: {  	[tilespmem:s11], [sflag:$0x3] =	stream.indirect_vreg.gather [hbm4b:s4+s2], $0x80, v4, vm0, $0xb8;
	[tilespmem:$0x1E500] =	vst v63  }
0x278: {  	_ = 	snop  }
0x279: {  	[tilespmem:s12], [sflag:$0x3] =	stream.indirect_vreg.gather [hbm4b:s4+s2], $0x80, v3, vm0, $0xb8;
	[tilespmem:$0x1E500] =	vst v63  }
0x27a: {  	v3 =	vld [tilespmem:$0x370];
	_ =	sdelay $0x4  }
0x27b: {  	v39 =	vshll.u32 v3, $0x1  }
0x27c: {  	v3 =	vand.u32 $0x7, v3;
	v4 =	vand.u32 $0xFFFFFFF0, v39  }
0x27d: {  	v3 =	vor.u32 v3, v4  }
0x27e: {  	v4 =	vperm.xlane v3, v0;
	_ =	sdelay $0x1  }
0x27f: {  	v3 =	vperm.xlane v3, v2;
	v4 =	vadd.s32 v1, v4;
	_ =	sdelay $0x1  }
0x280: {  	v3 =	vadd.s32 v1, v3;
	_ =	sdelay $0x2  }
0x281: {  	[tilespmem:s13], [sflag:$0x3] =	stream.indirect_vreg.gather [hbm4b:s4+s2], $0x80, v4, vm0, $0xb8;
	[tilespmem:$0x1E500] =	vst v63  }
0x282: {  	_ = 	snop  }
0x283: {  	[tilespmem:s14], [sflag:$0x3] =	stream.indirect_vreg.gather [hbm4b:s4+s2], $0x80, v3, vm0, $0xb8;
	[tilespmem:$0x1E500] =	vst v63  }
0x284: {  	v3 =	vld [tilespmem:$0x380];
	_ =	sdelay $0x4  }
0x285: {  	v40 =	vshll.u32 v3, $0x1  }
0x286: {  	v3 =	vand.u32 $0x7, v3;
	v4 =	vand.u32 $0xFFFFFFF0, v40  }
0x287: {  	v3 =	vor.u32 v3, v4  }
0x288: {  	v4 =	vperm.xlane v3, v0;
	_ =	sdelay $0x1  }
0x289: {  	v3 =	vperm.xlane v3, v2;
	v4 =	vadd.s32 v1, v4;
	_ =	sdelay $0x1  }
0x28a: {  	v3 =	vadd.s32 v1, v3;
	_ =	sdelay $0x2  }
0x28b: {  	[tilespmem:s15], [sflag:$0x3] =	stream.indirect_vreg.gather [hbm4b:s4+s2], $0x80, v4, vm0, $0xb8;
	[tilespmem:$0x1E500] =	vst v63  }
0x28c: {  	_ = 	snop  }
0x28d: {  	[tilespmem:s16], [sflag:$0x3] =	stream.indirect_vreg.gather [hbm4b:s4+s2], $0x80, v3, vm0, $0xb8;
	[tilespmem:$0x1E500] =	vst v63  }
0x28e: {  	v3 =	vld [tilespmem:$0x390];
	_ =	sdelay $0x4  }
0x28f: {  	v41 =	vshll.u32 v3, $0x1  }
0x290: {  	v3 =	vand.u32 $0x7, v3;
	v4 =	vand.u32 $0xFFFFFFF0, v41  }
0x291: {  	v3 =	vor.u32 v3, v4  }
0x292: {  	v4 =	vperm.xlane v3, v0;
	_ =	sdelay $0x1  }
0x293: {  	v3 =	vperm.xlane v3, v2;
	v4 =	vadd.s32 v1, v4;
	_ =	sdelay $0x1  }
0x294: {  	v3 =	vadd.s32 v1, v3;
	_ =	sdelay $0x2  }
0x295: {  	[tilespmem:s17], [sflag:$0x3] =	stream.indirect_vreg.gather [hbm4b:s4+s2], $0x80, v4, vm0, $0xb8;
	[tilespmem:$0x1E500] =	vst v63  }
0x296: {  	_ = 	snop  }
0x297: {  	[tilespmem:s18], [sflag:$0x3] =	stream.indirect_vreg.gather [hbm4b:s4+s2], $0x80, v3, vm0, $0xb8;
	[tilespmem:$0x1E500] =	vst v63  }
0x298: {  	v3 =	vld [tilespmem:$0x3A0];
	_ =	sdelay $0x4  }
0x299: {  	v42 =	vshll.u32 v3, $0x1  }
0x29a: {  	v3 =	vand.u32 $0x7, v3;
	v4 =	vand.u32 $0xFFFFFFF0, v42  }
0x29b: {  	v3 =	vor.u32 v3, v4  }
0x29c: {  	v4 =	vperm.xlane v3, v0;
	_ =	sdelay $0x1  }
0x29d: {  	v3 =	vperm.xlane v3, v2;
	v4 =	vadd.s32 v1, v4;
	_ =	sdelay $0x1  }
0x29e: {  	v3 =	vadd.s32 v1, v3;
	_ =	sdelay $0x2  }
0x29f: {  	[tilespmem:s19], [sflag:$0x3] =	stream.indirect_vreg.gather [hbm4b:s4+s2], $0x80, v4, vm0, $0xb8;
	[tilespmem:$0x1E500] =	vst v63  }
0x2a0: {  	_ = 	snop  }
0x2a1: {  	[tilespmem:s20], [sflag:$0x3] =	stream.indirect_vreg.gather [hbm4b:s4+s2], $0x80, v3, vm0, $0xb8;
	[tilespmem:$0x1E500] =	vst v63  }
0x2a2: {  	v3 =	vld [tilespmem:$0x3B0];
	_ =	sdelay $0x4  }
0x2a3: {  	v43 =	vshll.u32 v3, $0x1  }
0x2a4: {  	v3 =	vand.u32 $0x7, v3;
	v4 =	vand.u32 $0xFFFFFFF0, v43  }
0x2a5: {  	v3 =	vor.u32 v3, v4  }
0x2a6: {  	v4 =	vperm.xlane v3, v0;
	_ =	sdelay $0x1  }
0x2a7: {  	v3 =	vperm.xlane v3, v2;
	v4 =	vadd.s32 v1, v4;
	_ =	sdelay $0x1  }
0x2a8: {  	v3 =	vadd.s32 v1, v3;
	_ =	sdelay $0x2  }
0x2a9: {  	[tilespmem:s26], [sflag:$0x3] =	stream.indirect_vreg.gather [hbm4b:s4+s2], $0x80, v4, vm0, $0xb8;
	[tilespmem:$0x1E500] =	vst v63  }
0x2aa: {  	_ = 	snop  }
0x2ab: {  	[tilespmem:s29], [sflag:$0x3] =	stream.indirect_vreg.gather [hbm4b:s4+s2], $0x80, v3, vm0, $0xb8;
	[tilespmem:$0x1E500] =	vst v63  }
0x2ac: {  	_ =	swait.ge [sflag:s22], $0xA000  }
0x2ad: {  	[sflag:s22] =	ssyncset.done $0x0  }
0x2ae: {  	s1 =	rddreg [dreg:$0x5];
	[sflag:s22] =	ssyncadd.s32 $0xFFFF6000  }
0x2af: {  	[hbm4b:s1+s2] =	stream.linear.scatter [tilespmem:s30], [sflag:$0x4], $0xA000, $0x38;
	[tilespmem:$0x1E500] =	vst v63  }
0x2b0: {  	_ =	swait.ge [sflag:s6], $0xA000  }
0x2b1: {  	[sflag:s6] =	ssyncset.done $0x0  }
0x2b2: {  	[sflag:s6] =	ssyncadd.s32 $0xFFFF6000  }
0x2b3: {  	v3 =	vld [tilespmem:$0x3C0];
	_ =	sdelay $0x4  }
0x2b4: {  	v44 =	vshll.u32 v3, $0x1  }
0x2b5: {  	v3 =	vand.u32 $0x7, v3;
	v4 =	vand.u32 $0xFFFFFFF0, v44  }
0x2b6: {  	v3 =	vor.u32 v3, v4  }
0x2b7: {  	v4 =	vperm.xlane v3, v0;
	_ =	sdelay $0x1  }
0x2b8: {  	v3 =	vperm.xlane v3, v2;
	v4 =	vadd.s32 v1, v4;
	_ =	sdelay $0x1  }
0x2b9: {  	v3 =	vadd.s32 v1, v3;
	_ =	sdelay $0x2  }
0x2ba: {  	[tilespmem:s30], [sflag:$0x1] =	stream.indirect_vreg.gather [hbm4b:s4+s2], $0x80, v4, vm0, $0xb8;
	[tilespmem:$0x1E500] =	vst v63  }
0x2bb: {  	s25 =	simm.s32 $0xD00  }
0x2bc: {  	[tilespmem:s25], [sflag:$0x1] =	stream.indirect_vreg.gather [hbm4b:s4+s2], $0x80, v3, vm0, $0xb8;
	[tilespmem:$0x1E500] =	vst v63  }
0x2bd: {  	v3 =	vld [tilespmem:$0x3D0];
	_ =	sdelay $0x4  }
0x2be: {  	v45 =	vshll.u32 v3, $0x1  }
0x2bf: {  	v3 =	vand.u32 $0x7, v3;
	v4 =	vand.u32 $0xFFFFFFF0, v45  }
0x2c0: {  	v3 =	vor.u32 v3, v4  }
0x2c1: {  	v4 =	vperm.xlane v3, v0;
	_ =	sdelay $0x1  }
0x2c2: {  	v3 =	vperm.xlane v3, v2;
	v4 =	vadd.s32 v1, v4;
	_ =	sdelay $0x1  }
0x2c3: {  	v3 =	vadd.s32 v1, v3;
	_ =	sdelay $0x1  }
0x2c4: {  	s25 =	simm.s32 $0x1500  }
0x2c5: {  	[tilespmem:s25], [sflag:$0x1] =	stream.indirect_vreg.gather [hbm4b:s4+s2], $0x80, v4, vm0, $0xb8;
	[tilespmem:$0x1E500] =	vst v63  }
0x2c6: {  	s25 =	simm.s32 $0x1D00  }
0x2c7: {  	[tilespmem:s25], [sflag:$0x1] =	stream.indirect_vreg.gather [hbm4b:s4+s2], $0x80, v3, vm0, $0xb8;
	[tilespmem:$0x1E500] =	vst v63  }
0x2c8: {  	v3 =	vld [tilespmem:$0x3E0];
	_ =	sdelay $0x4  }
0x2c9: {  	v46 =	vshll.u32 v3, $0x1  }
0x2ca: {  	v3 =	vand.u32 $0x7, v3;
	v4 =	vand.u32 $0xFFFFFFF0, v46  }
0x2cb: {  	v3 =	vor.u32 v3, v4  }
0x2cc: {  	v4 =	vperm.xlane v3, v0;
	_ =	sdelay $0x1  }
0x2cd: {  	v3 =	vperm.xlane v3, v2;
	v4 =	vadd.s32 v1, v4;
	_ =	sdelay $0x1  }
0x2ce: {  	v3 =	vadd.s32 v1, v3;
	_ =	sdelay $0x2  }
0x2cf: {  	[tilespmem:s31], [sflag:$0x1] =	stream.indirect_vreg.gather [hbm4b:s4+s2], $0x80, v4, vm0, $0xb8;
	[tilespmem:$0x1E500] =	vst v63  }
0x2d0: {  	s25 =	simm.s32 $0x2D00  }
0x2d1: {  	[tilespmem:s25], [sflag:$0x1] =	stream.indirect_vreg.gather [hbm4b:s4+s2], $0x80, v3, vm0, $0xb8;
	[tilespmem:$0x1E500] =	vst v63  }
0x2d2: {  	v3 =	vld [tilespmem:$0x3F0];
	_ =	sdelay $0x4  }
0x2d3: {  	v47 =	vshll.u32 v3, $0x1  }
0x2d4: {  	v3 =	vand.u32 $0x7, v3;
	v4 =	vand.u32 $0xFFFFFFF0, v47  }
0x2d5: {  	v3 =	vor.u32 v3, v4  }
0x2d6: {  	v4 =	vperm.xlane v3, v0;
	_ =	sdelay $0x1  }
0x2d7: {  	v3 =	vperm.xlane v3, v2;
	v4 =	vadd.s32 v1, v4;
	_ =	sdelay $0x1  }
0x2d8: {  	v3 =	vadd.s32 v1, v3;
	_ =	sdelay $0x1  }
0x2d9: {  	s25 =	simm.s32 $0x3500  }
0x2da: {  	[tilespmem:s25], [sflag:$0x1] =	stream.indirect_vreg.gather [hbm4b:s4+s2], $0x80, v4, vm0, $0xb8;
	[tilespmem:$0x1E500] =	vst v63  }
0x2db: {  	s25 =	simm.s32 $0x3D00  }
0x2dc: {  	[tilespmem:s25], [sflag:$0x1] =	stream.indirect_vreg.gather [hbm4b:s4+s2], $0x80, v3, vm0, $0xb8;
	[tilespmem:$0x1E500] =	vst v63  }
0x2dd: {  	v3 =	vld [tilespmem:$0x400];
	_ =	sdelay $0x4  }
0x2de: {  	v48 =	vshll.u32 v3, $0x1  }
0x2df: {  	v3 =	vand.u32 $0x7, v3;
	v4 =	vand.u32 $0xFFFFFFF0, v48  }
0x2e0: {  	v3 =	vor.u32 v3, v4  }
0x2e1: {  	v4 =	vperm.xlane v3, v0;
	_ =	sdelay $0x1  }
0x2e2: {  	v3 =	vperm.xlane v3, v2;
	v4 =	vadd.s32 v1, v4;
	_ =	sdelay $0x1  }
0x2e3: {  	v3 =	vadd.s32 v1, v3;
	_ =	sdelay $0x1  }
0x2e4: {  	s25 =	simm.s32 $0x4500  }
0x2e5: {  	[tilespmem:s25], [sflag:$0x1] =	stream.indirect_vreg.gather [hbm4b:s4+s2], $0x80, v4, vm0, $0xb8;
	[tilespmem:$0x1E500] =	vst v63  }
0x2e6: {  	s25 =	simm.s32 $0x4D00  }
0x2e7: {  	[tilespmem:s25], [sflag:$0x1] =	stream.indirect_vreg.gather [hbm4b:s4+s2], $0x80, v3, vm0, $0xb8;
	[tilespmem:$0x1E500] =	vst v63  }
0x2e8: {  	v3 =	vld [tilespmem:$0x410];
	_ =	sdelay $0x4  }
0x2e9: {  	v49 =	vshll.u32 v3, $0x1  }
0x2ea: {  	v3 =	vand.u32 $0x7, v3;
	v4 =	vand.u32 $0xFFFFFFF0, v49  }
0x2eb: {  	v3 =	vor.u32 v3, v4  }
0x2ec: {  	v4 =	vperm.xlane v3, v0;
	_ =	sdelay $0x1  }
0x2ed: {  	v3 =	vperm.xlane v3, v2;
	v4 =	vadd.s32 v1, v4;
	_ =	sdelay $0x1  }
0x2ee: {  	v3 =	vadd.s32 v1, v3;
	_ =	sdelay $0x1  }
0x2ef: {  	s25 =	simm.s32 $0x5500  }
0x2f0: {  	[tilespmem:s25], [sflag:$0x1] =	stream.indirect_vreg.gather [hbm4b:s4+s2], $0x80, v4, vm0, $0xb8;
	[tilespmem:$0x1E500] =	vst v63  }
0x2f1: {  	s25 =	simm.s32 $0x5D00  }
0x2f2: {  	[tilespmem:s25], [sflag:$0x1] =	stream.indirect_vreg.gather [hbm4b:s4+s2], $0x80, v3, vm0, $0xb8;
	[tilespmem:$0x1E500] =	vst v63  }
0x2f3: {  	v3 =	vld [tilespmem:$0x420];
	_ =	sdelay $0x4  }
0x2f4: {  	v50 =	vshll.u32 v3, $0x1  }
0x2f5: {  	v3 =	vand.u32 $0x7, v3;
	v4 =	vand.u32 $0xFFFFFFF0, v50  }
0x2f6: {  	v3 =	vor.u32 v3, v4  }
0x2f7: {  	v4 =	vperm.xlane v3, v0;
	_ =	sdelay $0x1  }
0x2f8: {  	v3 =	vperm.xlane v3, v2;
	v4 =	vadd.s32 v1, v4;
	_ =	sdelay $0x1  }
0x2f9: {  	v3 =	vadd.s32 v1, v3;
	_ =	sdelay $0x1  }
0x2fa: {  	s25 =	simm.s32 $0x6500  }
0x2fb: {  	[tilespmem:s25], [sflag:$0x1] =	stream.indirect_vreg.gather [hbm4b:s4+s2], $0x80, v4, vm0, $0xb8;
	[tilespmem:$0x1E500] =	vst v63  }
0x2fc: {  	s25 =	simm.s32 $0x6D00  }
0x2fd: {  	[tilespmem:s25], [sflag:$0x1] =	stream.indirect_vreg.gather [hbm4b:s4+s2], $0x80, v3, vm0, $0xb8;
	[tilespmem:$0x1E500] =	vst v63  }
0x2fe: {  	v3 =	vld [tilespmem:$0x430];
	_ =	sdelay $0x4  }
0x2ff: {  	v51 =	vshll.u32 v3, $0x1  }
0x300: {  	v3 =	vand.u32 $0x7, v3;
	v4 =	vand.u32 $0xFFFFFFF0, v51  }
0x301: {  	v3 =	vor.u32 v3, v4  }
0x302: {  	v4 =	vperm.xlane v3, v0;
	_ =	sdelay $0x1  }
0x303: {  	v3 =	vperm.xlane v3, v2;
	v4 =	vadd.s32 v1, v4;
	_ =	sdelay $0x1  }
0x304: {  	v3 =	vadd.s32 v1, v3;
	_ =	sdelay $0x1  }
0x305: {  	s25 =	simm.s32 $0x7500  }
0x306: {  	[tilespmem:s25], [sflag:$0x1] =	stream.indirect_vreg.gather [hbm4b:s4+s2], $0x80, v4, vm0, $0xb8;
	[tilespmem:$0x1E500] =	vst v63  }
0x307: {  	s25 =	simm.s32 $0x7D00  }
0x308: {  	[tilespmem:s25], [sflag:$0x1] =	stream.indirect_vreg.gather [hbm4b:s4+s2], $0x80, v3, vm0, $0xb8;
	[tilespmem:$0x1E500] =	vst v63  }
0x309: {  	v3 =	vld [tilespmem:$0x440];
	_ =	sdelay $0x4  }
0x30a: {  	v52 =	vshll.u32 v3, $0x1  }
0x30b: {  	v3 =	vand.u32 $0x7, v3;
	v4 =	vand.u32 $0xFFFFFFF0, v52  }
0x30c: {  	v3 =	vor.u32 v3, v4  }
0x30d: {  	v4 =	vperm.xlane v3, v0;
	_ =	sdelay $0x1  }
0x30e: {  	v3 =	vperm.xlane v3, v2;
	v4 =	vadd.s32 v1, v4;
	_ =	sdelay $0x1  }
0x30f: {  	v3 =	vadd.s32 v1, v3;
	_ =	sdelay $0x1  }
0x310: {  	s25 =	simm.s32 $0x8500  }
0x311: {  	[tilespmem:s25], [sflag:$0x1] =	stream.indirect_vreg.gather [hbm4b:s4+s2], $0x80, v4, vm0, $0xb8;
	[tilespmem:$0x1E500] =	vst v63  }
0x312: {  	s25 =	simm.s32 $0x8D00  }
0x313: {  	[tilespmem:s25], [sflag:$0x1] =	stream.indirect_vreg.gather [hbm4b:s4+s2], $0x80, v3, vm0, $0xb8;
	[tilespmem:$0x1E500] =	vst v63  }
0x314: {  	v3 =	vld [tilespmem:$0x450];
	_ =	sdelay $0x4  }
0x315: {  	v53 =	vshll.u32 v3, $0x1  }
0x316: {  	v3 =	vand.u32 $0x7, v3;
	v4 =	vand.u32 $0xFFFFFFF0, v53  }
0x317: {  	v3 =	vor.u32 v3, v4  }
0x318: {  	v4 =	vperm.xlane v3, v0;
	_ =	sdelay $0x1  }
0x319: {  	v3 =	vperm.xlane v3, v2;
	v4 =	vadd.s32 v1, v4;
	_ =	sdelay $0x1  }
0x31a: {  	v3 =	vadd.s32 v1, v3;
	_ =	sdelay $0x1  }
0x31b: {  	s25 =	simm.s32 $0x9500  }
0x31c: {  	[tilespmem:s25], [sflag:$0x1] =	stream.indirect_vreg.gather [hbm4b:s4+s2], $0x80, v4, vm0, $0xb8;
	[tilespmem:$0x1E500] =	vst v63  }
0x31d: {  	s25 =	simm.s32 $0x9D00  }
0x31e: {  	[tilespmem:s25], [sflag:$0x1] =	stream.indirect_vreg.gather [hbm4b:s4+s2], $0x80, v3, vm0, $0xb8;
	[tilespmem:$0x1E500] =	vst v63  }
0x31f: {  	_ =	swait.ge [sflag:s23], $0xA000  }
0x320: {  	[sflag:s23] =	ssyncset.done $0x0  }
0x321: {  	s1 =	rddreg [dreg:$0x6];
	[sflag:s23] =	ssyncadd.s32 $0xFFFF6000  }
0x322: {  	[hbm4b:s1+s2] =	stream.linear.scatter [tilespmem:s28], [sflag:$0x4], $0xA000, $0x38;
	[tilespmem:$0x1E500] =	vst v63  }
0x323: {  	_ =	swait.ge [sflag:s6], $0xA000  }
0x324: {  	[sflag:s6] =	ssyncset.done $0x0  }
0x325: {  	[sflag:s6] =	ssyncadd.s32 $0xFFFF6000  }
0x326: {  	v3 =	vld [tilespmem:$0x460];
	_ =	sdelay $0x4  }
0x327: {  	v54 =	vshll.u32 v3, $0x1  }
0x328: {  	v3 =	vand.u32 $0x7, v3;
	v4 =	vand.u32 $0xFFFFFFF0, v54  }
0x329: {  	v3 =	vor.u32 v3, v4  }
0x32a: {  	v4 =	vperm.xlane v3, v0;
	_ =	sdelay $0x1  }
0x32b: {  	v3 =	vperm.xlane v3, v2;
	v4 =	vadd.s32 v1, v4;
	_ =	sdelay $0x1  }
0x32c: {  	v3 =	vadd.s32 v1, v3;
	_ =	sdelay $0x2  }
0x32d: {  	[tilespmem:s28], [sflag:$0x2] =	stream.indirect_vreg.gather [hbm4b:s4+s2], $0x80, v4, vm0, $0xb8;
	[tilespmem:$0x1E500] =	vst v63  }
0x32e: {  	s25 =	simm.s32 $0xAD00  }
0x32f: {  	[tilespmem:s25], [sflag:$0x2] =	stream.indirect_vreg.gather [hbm4b:s4+s2], $0x80, v3, vm0, $0xb8;
	[tilespmem:$0x1E500] =	vst v63  }
0x330: {  	v3 =	vld [tilespmem:$0x470];
	_ =	sdelay $0x4  }
0x331: {  	v55 =	vshll.u32 v3, $0x1  }
0x332: {  	v3 =	vand.u32 $0x7, v3;
	v4 =	vand.u32 $0xFFFFFFF0, v55  }
0x333: {  	v3 =	vor.u32 v3, v4  }
0x334: {  	v4 =	vperm.xlane v3, v0;
	_ =	sdelay $0x1  }
0x335: {  	v3 =	vperm.xlane v3, v2;
	v4 =	vadd.s32 v1, v4;
	_ =	sdelay $0x1  }
0x336: {  	v3 =	vadd.s32 v1, v3;
	_ =	sdelay $0x1  }
0x337: {  	s25 =	simm.s32 $0xB500  }
0x338: {  	[tilespmem:s25], [sflag:$0x2] =	stream.indirect_vreg.gather [hbm4b:s4+s2], $0x80, v4, vm0, $0xb8;
	[tilespmem:$0x1E500] =	vst v63  }
0x339: {  	s25 =	simm.s32 $0xBD00  }
0x33a: {  	[tilespmem:s25], [sflag:$0x2] =	stream.indirect_vreg.gather [hbm4b:s4+s2], $0x80, v3, vm0, $0xb8;
	[tilespmem:$0x1E500] =	vst v63  }
0x33b: {  	v3 =	vld [tilespmem:$0x480];
	_ =	sdelay $0x4  }
0x33c: {  	v56 =	vshll.u32 v3, $0x1  }
0x33d: {  	v3 =	vand.u32 $0x7, v3;
	v4 =	vand.u32 $0xFFFFFFF0, v56  }
0x33e: {  	v3 =	vor.u32 v3, v4  }
0x33f: {  	v4 =	vperm.xlane v3, v0;
	_ =	sdelay $0x1  }
0x340: {  	v3 =	vperm.xlane v3, v2;
	v4 =	vadd.s32 v1, v4;
	_ =	sdelay $0x1  }
0x341: {  	v3 =	vadd.s32 v1, v3;
	_ =	sdelay $0x1  }
0x342: {  	s25 =	simm.s32 $0xC500  }
0x343: {  	[tilespmem:s25], [sflag:$0x2] =	stream.indirect_vreg.gather [hbm4b:s4+s2], $0x80, v4, vm0, $0xb8;
	[tilespmem:$0x1E500] =	vst v63  }
0x344: {  	s25 =	simm.s32 $0xCD00  }
0x345: {  	[tilespmem:s25], [sflag:$0x2] =	stream.indirect_vreg.gather [hbm4b:s4+s2], $0x80, v3, vm0, $0xb8;
	[tilespmem:$0x1E500] =	vst v63  }
0x346: {  	v3 =	vld [tilespmem:$0x490];
	_ =	sdelay $0x4  }
0x347: {  	v57 =	vshll.u32 v3, $0x1  }
0x348: {  	v3 =	vand.u32 $0x7, v3;
	v4 =	vand.u32 $0xFFFFFFF0, v57  }
0x349: {  	v3 =	vor.u32 v3, v4  }
0x34a: {  	v4 =	vperm.xlane v3, v0;
	_ =	sdelay $0x1  }
0x34b: {  	v3 =	vperm.xlane v3, v2;
	v4 =	vadd.s32 v1, v4;
	_ =	sdelay $0x1  }
0x34c: {  	v3 =	vadd.s32 v1, v3;
	_ =	sdelay $0x1  }
0x34d: {  	s25 =	simm.s32 $0xD500  }
0x34e: {  	[tilespmem:s25], [sflag:$0x2] =	stream.indirect_vreg.gather [hbm4b:s4+s2], $0x80, v4, vm0, $0xb8;
	[tilespmem:$0x1E500] =	vst v63  }
0x34f: {  	s25 =	simm.s32 $0xDD00  }
0x350: {  	[tilespmem:s25], [sflag:$0x2] =	stream.indirect_vreg.gather [hbm4b:s4+s2], $0x80, v3, vm0, $0xb8;
	[tilespmem:$0x1E500] =	vst v63  }
0x351: {  	v3 =	vld [tilespmem:$0x4A0];
	_ =	sdelay $0x4  }
0x352: {  	v58 =	vshll.u32 v3, $0x1  }
0x353: {  	v3 =	vand.u32 $0x7, v3;
	v4 =	vand.u32 $0xFFFFFFF0, v58  }
0x354: {  	v3 =	vor.u32 v3, v4  }
0x355: {  	v4 =	vperm.xlane v3, v0;
	_ =	sdelay $0x1  }
0x356: {  	v3 =	vperm.xlane v3, v2;
	v4 =	vadd.s32 v1, v4;
	_ =	sdelay $0x1  }
0x357: {  	v3 =	vadd.s32 v1, v3;
	_ =	sdelay $0x1  }
0x358: {  	s25 =	simm.s32 $0xE500  }
0x359: {  	[tilespmem:s25], [sflag:$0x2] =	stream.indirect_vreg.gather [hbm4b:s4+s2], $0x80, v4, vm0, $0xb8;
	[tilespmem:$0x1E500] =	vst v63  }
0x35a: {  	s25 =	simm.s32 $0xED00  }
0x35b: {  	[tilespmem:s25], [sflag:$0x2] =	stream.indirect_vreg.gather [hbm4b:s4+s2], $0x80, v3, vm0, $0xb8;
	[tilespmem:$0x1E500] =	vst v63  }
0x35c: {  	v3 =	vld [tilespmem:$0x4B0];
	_ =	sdelay $0x4  }
0x35d: {  	v59 =	vshll.u32 v3, $0x1  }
0x35e: {  	v3 =	vand.u32 $0x7, v3;
	v4 =	vand.u32 $0xFFFFFFF0, v59  }
0x35f: {  	v3 =	vor.u32 v3, v4  }
0x360: {  	v4 =	vperm.xlane v3, v0;
	_ =	sdelay $0x1  }
0x361: {  	v3 =	vperm.xlane v3, v2;
	v4 =	vadd.s32 v1, v4;
	_ =	sdelay $0x1  }
0x362: {  	v3 =	vadd.s32 v1, v3;
	_ =	sdelay $0x1  }
0x363: {  	s25 =	simm.s32 $0xF500  }
0x364: {  	[tilespmem:s25], [sflag:$0x2] =	stream.indirect_vreg.gather [hbm4b:s4+s2], $0x80, v4, vm0, $0xb8;
	[tilespmem:$0x1E500] =	vst v63  }
0x365: {  	s25 =	simm.s32 $0xFD00  }
0x366: {  	[tilespmem:s25], [sflag:$0x2] =	stream.indirect_vreg.gather [hbm4b:s4+s2], $0x80, v3, vm0, $0xb8;
	[tilespmem:$0x1E500] =	vst v63  }
0x367: {  	v3 =	vld [tilespmem:$0x4C0];
	_ =	sdelay $0x4  }
0x368: {  	v60 =	vshll.u32 v3, $0x1  }
0x369: {  	v3 =	vand.u32 $0x7, v3;
	v4 =	vand.u32 $0xFFFFFFF0, v60  }
0x36a: {  	v3 =	vor.u32 v3, v4  }
0x36b: {  	v4 =	vperm.xlane v3, v0;
	_ =	sdelay $0x1  }
0x36c: {  	v3 =	vperm.xlane v3, v2;
	v4 =	vadd.s32 v1, v4;
	_ =	sdelay $0x1  }
0x36d: {  	v3 =	vadd.s32 v1, v3;
	_ =	sdelay $0x1  }
0x36e: {  	s25 =	simm.s32 $0x10500  }
0x36f: {  	[tilespmem:s25], [sflag:$0x2] =	stream.indirect_vreg.gather [hbm4b:s4+s2], $0x80, v4, vm0, $0xb8;
	[tilespmem:$0x1E500] =	vst v63  }
0x370: {  	s25 =	simm.s32 $0x10D00  }
0x371: {  	[tilespmem:s25], [sflag:$0x2] =	stream.indirect_vreg.gather [hbm4b:s4+s2], $0x80, v3, vm0, $0xb8;
	[tilespmem:$0x1E500] =	vst v63  }
0x372: {  	v3 =	vld [tilespmem:$0x4D0];
	_ =	sdelay $0x4  }
0x373: {  	v61 =	vshll.u32 v3, $0x1  }
0x374: {  	v3 =	vand.u32 $0x7, v3;
	v4 =	vand.u32 $0xFFFFFFF0, v61  }
0x375: {  	v3 =	vor.u32 v3, v4  }
0x376: {  	v4 =	vperm.xlane v3, v0;
	_ =	sdelay $0x1  }
0x377: {  	v3 =	vperm.xlane v3, v2;
	v4 =	vadd.s32 v1, v4;
	_ =	sdelay $0x1  }
0x378: {  	v3 =	vadd.s32 v1, v3;
	_ =	sdelay $0x1  }
0x379: {  	s25 =	simm.s32 $0x11500  }
0x37a: {  	[tilespmem:s25], [sflag:$0x2] =	stream.indirect_vreg.gather [hbm4b:s4+s2], $0x80, v4, vm0, $0xb8;
	[tilespmem:$0x1E500] =	vst v63  }
0x37b: {  	s25 =	simm.s32 $0x11D00  }
0x37c: {  	[tilespmem:s25], [sflag:$0x2] =	stream.indirect_vreg.gather [hbm4b:s4+s2], $0x80, v3, vm0, $0xb8;
	[tilespmem:$0x1E500] =	vst v63  }
0x37d: {  	v3 =	vld [tilespmem:$0x4E0];
	_ =	sdelay $0x4  }
0x37e: {  	v62 =	vshll.u32 v3, $0x1  }
0x37f: {  	v3 =	vand.u32 $0x7, v3;
	v4 =	vand.u32 $0xFFFFFFF0, v62  }
0x380: {  	v3 =	vor.u32 v3, v4  }
0x381: {  	v4 =	vperm.xlane v3, v0;
	_ =	sdelay $0x1  }
0x382: {  	v3 =	vperm.xlane v3, v2;
	v4 =	vadd.s32 v1, v4;
	_ =	sdelay $0x1  }
0x383: {  	v3 =	vadd.s32 v1, v3;
	_ =	sdelay $0x1  }
0x384: {  	s25 =	simm.s32 $0x12500  }
0x385: {  	[tilespmem:s25], [sflag:$0x2] =	stream.indirect_vreg.gather [hbm4b:s4+s2], $0x80, v4, vm0, $0xb8;
	[tilespmem:$0x1E500] =	vst v63  }
0x386: {  	s25 =	simm.s32 $0x12D00  }
0x387: {  	[tilespmem:s25], [sflag:$0x2] =	stream.indirect_vreg.gather [hbm4b:s4+s2], $0x80, v3, vm0, $0xb8;
	[tilespmem:$0x1E500] =	vst v63  }
0x388: {  	v3 =	vld [tilespmem:$0x4F0];
	_ =	sdelay $0x4  }
0x389: {  	v63 =	vshll.u32 v3, $0x1  }
0x38a: {  	v3 =	vand.u32 $0x7, v3;
	v4 =	vand.u32 $0xFFFFFFF0, v63  }
0x38b: {  	v3 =	vor.u32 v3, v4  }
0x38c: {  	v4 =	vperm.xlane v3, v0;
	_ =	sdelay $0x1  }
0x38d: {  	v3 =	vperm.xlane v3, v2;
	v4 =	vadd.s32 v1, v4;
	_ =	sdelay $0x1  }
0x38e: {  	v3 =	vadd.s32 v1, v3;
	_ =	sdelay $0x1  }
0x38f: {  	s25 =	simm.s32 $0x13500  }
0x390: {  	[tilespmem:s25], [sflag:$0x2] =	stream.indirect_vreg.gather [hbm4b:s4+s2], $0x80, v4, vm0, $0xb8;
	[tilespmem:$0x1E500] =	vst v63  }
0x391: {  	s25 =	simm.s32 $0x13D00  }
0x392: {  	[tilespmem:s25], [sflag:$0x2] =	stream.indirect_vreg.gather [hbm4b:s4+s2], $0x80, v3, vm0, $0xb8;
	[tilespmem:$0x1E500] =	vst v63  }
0x393: {  	_ =	swait.ge [sflag:s24], $0xA000  }
0x394: {  	[sflag:s24] =	ssyncset.done $0x0  }
0x395: {  	s1 =	rddreg [dreg:$0x7];
	[sflag:s24] =	ssyncadd.s32 $0xFFFF6000  }
0x396: {  	[hbm4b:s1+s2] =	stream.linear.scatter [tilespmem:s0], [sflag:$0x4], $0xA000, $0x38;
	[tilespmem:$0x1E500] =	vst v63  }
0x397: {  	_ =	swait.ge [sflag:s6], $0xA000  }
0x398: {  	[sflag:s6] =	ssyncset.done $0x0  }
0x399: {  	[sflag:s6] =	ssyncadd.s32 $0xFFFF6000  }
0x39a: {  	_ =	swait.ge [sflag:s22], $0xA000  }
0x39b: {  	[sflag:s22] =	ssyncset.done $0x0  }
0x39c: {  	s0 =	rddreg [dreg:$0x8];
	[sflag:s22] =	ssyncadd.s32 $0xFFFF6000  }
0x39d: {  	[hbm4b:s0+s2] =	stream.linear.scatter [tilespmem:s30], [sflag:$0x4], $0xA000, $0x38;
	[tilespmem:$0x1E500] =	vst v63  }
0x39e: {  	_ =	swait.ge [sflag:s6], $0xA000  }
0x39f: {  	[sflag:s6] =	ssyncset.done $0x0  }
0x3a0: {  	[sflag:s6] =	ssyncadd.s32 $0xFFFF6000  }
0x3a1: {  	_ =	swait.ge [sflag:s23], $0xA000  }
0x3a2: {  	p0 =	sne.s32 s5, $0x1;
	[sflag:s23] =	ssyncset.done $0x0  }
.Ltmp0:
0x3a3: {  	s1 =	rddreg [dreg:$0x9];
	[sflag:s23] =	ssyncadd.s32 $0xFFFF6000;
	(pc) =	sbr.rel @p0 .LBB2_1-.Ltmp0, $4  }
0x3a4: {  	[hbm4b:s1+s2] =	stream.linear.scatter [tilespmem:s28], [sflag:$0x4], $0xA000, $0x38;
	[tilespmem:$0x1E500] =	vst v63  }
0x3a5: {  	_ =	swait.ge [sflag:s6], $0xA000  }
0x3a6: {  	[sflag:s6] =	ssyncset.done $0x0  }
0x3a7: {  	s5 =	sadd.s32 $0xFFFFFFFF, s5;
	[sflag:s6] =	ssyncadd.s32 $0xFFFF6000  }
0x3a8: {  	_ =	sfence.sel $0x180000  }
0x3a9: {  	[bflag:$0x0] =	sbarrier.arrive $0xFFFF  }
0x3aa: {  	_ =	strace $0x90000047  }
0x3ab: {  	s0 =	stileid.u32;
	[bflag:$0x2] =	sbarrier.arrive $0xFFFF  }
0x3ac: {  	p0 =	sne.s32 s0, $0x0;
	s0 =	rddreg [dreg:$0x1]  }
0x3ad: {  	s0 =	sadd.s32 @!p0 $0x100000, s0  }
0x3ae: {  	[sflag:s0] =	ssyncadd.tile.s32 @!p0 $0x1;
	_ =	shalt  }
.Lfunc_end2:
_tile_overlayer_lowered:
.L_overlay_start_2:
0x3af: {  	(tag) =	ssettag $0x2  }
0x3b0: {  	s0 =	rddreg [dreg:$0x0];
	s2 =	stileid.u32  }
0x3b1: {  	s1 =	rddreg [dreg:$0x1];
	p0 =	sne.s32 s2, $0x0  }
0x3b2: {  	s3 =	rddreg [dreg:$0x2];
	[bflag:$0x3] =	sbarrier.arrive $0xFFFF;
	s2 =	simm.s32 @!p0 $0x1C04  }
0x3b3: {  	[timem:s3], [sflag:s2] =	dma.local @!p0 [hbm:s0], s1  }
0x3b4: {  	s0 =	simm.s32 @!p0 $0x4  }
0x3b5: {  	_ =	swait.ge @!p0 [sflag:s0], s1  }
0x3b6: {  	s1 =	ssub.s32 @!p0 $0x0, s1;
	[sflag:s0] =	ssyncset.done @!p0 $0x0  }
0x3b7: {  	[sflag:s0] =	ssyncadd.s32 @!p0 s1  }
0x3b8: {  	[bflag:$0x3] =	sbarrier.arrive $0xFFFF  }
0x3b9: {  	_ =	shalt  }

</sc_bundles>
